<compile_context>
chip_gen: v7x
topology: tpu7x:2x2x1
jax: 0.10.2.dev20260603
libtpu: 0.0.44.dev20260713+nightly
codegen_flags: <defaults>
</compile_context>

<pallas_src>
import functools

import jax
import jax.numpy as jnp
from jax import lax
from jax.experimental import pallas as pl
from jax.experimental.pallas import tpu as pltpu
from jax.experimental.pallas import tpu_sc as plsc

VOCAB_SIZE = 100000
EMBED_DIM = 64
SEQ = 4096
LEN = 50
PADW = 128
NUM_CORES = 2
NUM_SUBCORES = 16
NUM_WORKERS = NUM_CORES * NUM_SUBCORES
SPW = SEQ // NUM_WORKERS
SEQ_PER_STEP = 4
NSTEP = SPW // SEQ_PER_STEP
NBUF = 2

_mesh = plsc.VectorSubcoreMesh(core_axis_name="c", subcore_axis_name="s")


@functools.partial(
    pl.kernel,
    out_type=jax.ShapeDtypeStruct((SEQ, LEN, PADW), jnp.float32),
    mesh=_mesh,
    scratch_types=[
        pltpu.VMEM((SPW, LEN), jnp.int32),
        pltpu.VMEM((NBUF, SEQ_PER_STEP, LEN, PADW), jnp.float32),
        pltpu.SemaphoreType.DMA,
        pltpu.SemaphoreType.DMA,
    ],
    compiler_params=pltpu.CompilerParams(use_tc_tiling_on_sc=True,
                                         needs_layout_passes=False),
)
def _embed_sc(idx_hbm, table_hbm, out_hbm, idx_v, rows_v, gsem, wsem):
    wid = lax.axis_index("s") * NUM_CORES + lax.axis_index("c")
    sb = wid * SPW
    pltpu.sync_copy(idx_hbm.at[pl.ds(sb, SPW)], idx_v)

    def start_gathers(b, t):
        for si in range(SEQ_PER_STEP):
            pltpu.async_copy(table_hbm.at[idx_v.at[t * SEQ_PER_STEP + si]],
                             rows_v.at[b, si], gsem)

    def wait_gathers(b, t):
        for si in range(SEQ_PER_STEP):
            pltpu.make_async_copy(
                table_hbm.at[idx_v.at[t * SEQ_PER_STEP + si]],
                rows_v.at[b, si], gsem).wait()

    def out_slice(t):
        return out_hbm.at[pl.ds(sb + t * SEQ_PER_STEP, SEQ_PER_STEP)]

    def issue_write(b, t):
        pltpu.async_copy(rows_v.at[b], out_slice(t), wsem)

    def wait_write(b, t):
        pltpu.make_async_copy(rows_v.at[b], out_slice(t), wsem).wait()

    start_gathers(0, 0)
    start_gathers(1, 1)
    wait_gathers(0, 0)
    issue_write(0, 0)

    def body(i, c):
        for b in range(NBUF):
            t = 1 + i * NBUF + b
            bt = (b + 1) % NBUF
            bp = b
            wait_gathers(bt, t)
            issue_write(bt, t)
            wait_write(bp, t - 1)
            start_gathers(bp, t - 1 + NBUF)
        return c

    lax.fori_loop(0, (NSTEP - NBUF) // NBUF, body, 0)

    for t in range(NSTEP - NBUF + 1, NSTEP):
        wait_gathers(t % NBUF, t)
        issue_write(t % NBUF, t)
        wait_write((t - 1) % NBUF, t - 1)
    wait_write((NSTEP - 1) % NBUF, NSTEP - 1)


def kernel(input_ids, table):
    tablep = jnp.pad(table, ((0, 0), (0, PADW - EMBED_DIM)))
    out128 = _embed_sc(input_ids.astype(jnp.int32), tablep)
    embeds = out128[:, :, :EMBED_DIM]
    return (embeds, embeds, embeds)

# --- scband reference (transcript-rebuilt; emitter-appended) ---
"""Pipeline reference for scband-dummy-text-encoder-78065325572242 (READ-ONLY COPY).

The authoritative reference and input builder live on the scoring server;
editing this copy changes nothing except your own understanding.
"""

import jax, jax.numpy as jnp
import numpy as np

VOCAB_SIZE = 100000
EMBED_DIM = 64

def setup_inputs(seed: int = 0) -> dict:
    key = jax.random.key(seed)
    k1, k2 = jax.random.split(key)
    input_ids = jax.random.randint(k1, (4096, 50), 0, VOCAB_SIZE, dtype=jnp.int64 if jax.config.read('jax_enable_x64') else jnp.int32)
    table = jax.random.normal(k2, (VOCAB_SIZE, EMBED_DIM), dtype=jnp.float32)
    return {"input_ids": input_ids, "table": table}

def reference(input_ids, table):
    # DummyTextEncoder.forward: embeds = self.embed(input_ids)
    embeds = jnp.take(table, input_ids, axis=0)
    # out.hidden_states = [embeds, embeds, embeds]
    return (embeds, embeds, embeds)

if __name__ == "__main__":
    import jax
    _d = setup_inputs()
    print(jax.jit(kernel)(*tuple(_d.values())))

</pallas_src>

<mosaic_0001>
#map = affine_map<(d0, d1) -> (0, 0)>
#map1 = affine_map<(d0, d1) -> (0, 0, 0)>
module attributes {stable_mosaic.version = 14 : i64} {
  func.func @_embed_sc(%arg0: i32, %arg1: i32, %arg2: memref<4096x50xi32, #tpu.memory_space<hbm>>, %arg3: memref<100000x128xf32, #tpu.memory_space<hbm>>, %arg4: memref<4096x50x128xf32, #tpu.memory_space<hbm>>, %arg5: memref<128x50xi32, #tpu.memory_space<vmem>>, %arg6: memref<2x4x50x128xf32, #tpu.memory_space<vmem>>, %arg7: memref<!tpu.dma_semaphore, #tpu.memory_space<semaphore_mem>>, %arg8: memref<!tpu.dma_semaphore, #tpu.memory_space<semaphore_mem>>) attributes {dimension_semantics = [#tpu.dimension_semantics<core_parallel>, #tpu.dimension_semantics<subcore_parallel>], iteration_bounds = array<i64: 2, 16>, scalar_prefetch = 0 : i64, scratch_operands = 4 : i64, tpu.core_type = #tpu.core_type<sc_vector_subcore>, window_params = [{transform_indices = #map}, {transform_indices = #map}, {transform_indices = #map1}]} {
    %mul3A = arith.constant 2 : i32
    %mul3A_0 = arith.muli %arg1, %mul3A : i32
    %add3A = arith.addi %mul3A_0, %arg0 : i32
    %mul3A_1 = arith.constant 128 : i32
    %mul3A_2 = arith.muli %add3A, %mul3A_1 : i32
    "tpu.region"() ({
      %run_scoped3A = tpu.sem_alloc : memref<!tpu.dma_semaphore, #tpu.memory_space<semaphore_mem>>
      %dma_start3A_290 = arith.constant 0 : i32
      %dma_start3A_291 = tpu.memref_slice %arg2[%mul3A_2, %dma_start3A_290] : memref<4096x50xi32, #tpu.memory_space<hbm>> -> memref<128x50xi32, #tpu.memory_space<hbm>>
      %dma_start3A_292 = arith.constant 0 : i32
      %dma_start3A_293 = tpu.memref_slice %arg2[%mul3A_2, %dma_start3A_292] : memref<4096x50xi32, #tpu.memory_space<hbm>> -> memref<128x50xi32, #tpu.memory_space<hbm>>
      tpu.enqueue_dma source(%dma_start3A_293 : memref<128x50xi32, #tpu.memory_space<hbm>>) target(%arg5 : memref<128x50xi32, #tpu.memory_space<vmem>>) target_semaphore(%run_scoped3A : memref<!tpu.dma_semaphore, #tpu.memory_space<semaphore_mem>>)
      %dma_wait3A_294 = arith.constant 0 : i32
      %dma_wait3A_295 = tpu.memref_slice %arg2[%mul3A_2, %dma_wait3A_294] : memref<4096x50xi32, #tpu.memory_space<hbm>> -> memref<128x50xi32, #tpu.memory_space<hbm>>
      %dma_wait3A_296 = arith.constant 0 : i32
      %dma_wait3A_297 = tpu.memref_slice %arg2[%mul3A_2, %dma_wait3A_296] : memref<4096x50xi32, #tpu.memory_space<hbm>> -> memref<128x50xi32, #tpu.memory_space<hbm>>
      tpu.wait_dma2 semaphore(%run_scoped3A : memref<!tpu.dma_semaphore, #tpu.memory_space<semaphore_mem>>) src(%dma_wait3A_297 : memref<128x50xi32, #tpu.memory_space<hbm>>) dst(%arg5 : memref<128x50xi32, #tpu.memory_space<vmem>>)
      tpu.yield
    }) : () -> ()
    %dma_start3A = arith.constant 0 : i32
    %dma_start3A_3 = arith.constant 0 : i32
    %dma_start3A_4 = arith.constant 0 : i32
    %dma_start3A_5 = arith.constant 0 : i32
    %dma_start3A_6 = arith.constant 0 : i32
    %dma_start3A_7 = tpu.memref_slice %arg6[%dma_start3A_3, %dma_start3A_4, %dma_start3A_5, %dma_start3A_6] : memref<2x4x50x128xf32, #tpu.memory_space<vmem>> -> memref<1x1x50x128xf32, #tpu.memory_space<vmem>>
    %dma_start3A_8 = tpu.memref_squeeze %dma_start3A_7 : memref<1x1x50x128xf32, #tpu.memory_space<vmem>> -> memref<50x128xf32, #tpu.memory_space<vmem>>
    %dma_start3A_9 = arith.constant 0 : i32
    %dma_start3A_10 = tpu.memref_slice %arg5[%dma_start3A, %dma_start3A_9] : memref<128x50xi32, #tpu.memory_space<vmem>> -> memref<1x50xi32, #tpu.memory_space<vmem>>
    %dma_start3A_11 = tpu.memref_squeeze %dma_start3A_10 : memref<1x50xi32, #tpu.memory_space<vmem>> -> memref<50xi32, #tpu.memory_space<vmem>>
    %dma_start3A_12 = arith.constant 0 : i32
    %dma_start3A_13 = arith.constant 0 : i32
    %dma_start3A_14 = tpu.memref_slice %arg3[%dma_start3A_12, %dma_start3A_13] : memref<100000x128xf32, #tpu.memory_space<hbm>> -> memref<100000x128xf32, #tpu.memory_space<hbm>>
    tpu.enqueue_indirect_dma source(%dma_start3A_14 : memref<100000x128xf32, #tpu.memory_space<hbm>>) target(%dma_start3A_8 : memref<50x128xf32, #tpu.memory_space<vmem>>) offsets(%dma_start3A_11 : memref<50xi32, #tpu.memory_space<vmem>>) semaphore(%arg7 : memref<!tpu.dma_semaphore, #tpu.memory_space<semaphore_mem>>)
    %dma_start3A_15 = arith.constant 1 : i32
    %dma_start3A_16 = arith.constant 0 : i32
    %dma_start3A_17 = arith.constant 1 : i32
    %dma_start3A_18 = arith.constant 0 : i32
    %dma_start3A_19 = arith.constant 0 : i32
    %dma_start3A_20 = tpu.memref_slice %arg6[%dma_start3A_16, %dma_start3A_17, %dma_start3A_18, %dma_start3A_19] : memref<2x4x50x128xf32, #tpu.memory_space<vmem>> -> memref<1x1x50x128xf32, #tpu.memory_space<vmem>>
    %dma_start3A_21 = tpu.memref_squeeze %dma_start3A_20 : memref<1x1x50x128xf32, #tpu.memory_space<vmem>> -> memref<50x128xf32, #tpu.memory_space<vmem>>
    %dma_start3A_22 = arith.constant 0 : i32
    %dma_start3A_23 = tpu.memref_slice %arg5[%dma_start3A_15, %dma_start3A_22] : memref<128x50xi32, #tpu.memory_space<vmem>> -> memref<1x50xi32, #tpu.memory_space<vmem>>
    %dma_start3A_24 = tpu.memref_squeeze %dma_start3A_23 : memref<1x50xi32, #tpu.memory_space<vmem>> -> memref<50xi32, #tpu.memory_space<vmem>>
    %dma_start3A_25 = arith.constant 0 : i32
    %dma_start3A_26 = arith.constant 0 : i32
    %dma_start3A_27 = tpu.memref_slice %arg3[%dma_start3A_25, %dma_start3A_26] : memref<100000x128xf32, #tpu.memory_space<hbm>> -> memref<100000x128xf32, #tpu.memory_space<hbm>>
    tpu.enqueue_indirect_dma source(%dma_start3A_27 : memref<100000x128xf32, #tpu.memory_space<hbm>>) target(%dma_start3A_21 : memref<50x128xf32, #tpu.memory_space<vmem>>) offsets(%dma_start3A_24 : memref<50xi32, #tpu.memory_space<vmem>>) semaphore(%arg7 : memref<!tpu.dma_semaphore, #tpu.memory_space<semaphore_mem>>)
    %dma_start3A_28 = arith.constant 2 : i32
    %dma_start3A_29 = arith.constant 0 : i32
    %dma_start3A_30 = arith.constant 2 : i32
    %dma_start3A_31 = arith.constant 0 : i32
    %dma_start3A_32 = arith.constant 0 : i32
    %dma_start3A_33 = tpu.memref_slice %arg6[%dma_start3A_29, %dma_start3A_30, %dma_start3A_31, %dma_start3A_32] : memref<2x4x50x128xf32, #tpu.memory_space<vmem>> -> memref<1x1x50x128xf32, #tpu.memory_space<vmem>>
    %dma_start3A_34 = tpu.memref_squeeze %dma_start3A_33 : memref<1x1x50x128xf32, #tpu.memory_space<vmem>> -> memref<50x128xf32, #tpu.memory_space<vmem>>
    %dma_start3A_35 = arith.constant 0 : i32
    %dma_start3A_36 = tpu.memref_slice %arg5[%dma_start3A_28, %dma_start3A_35] : memref<128x50xi32, #tpu.memory_space<vmem>> -> memref<1x50xi32, #tpu.memory_space<vmem>>
    %dma_start3A_37 = tpu.memref_squeeze %dma_start3A_36 : memref<1x50xi32, #tpu.memory_space<vmem>> -> memref<50xi32, #tpu.memory_space<vmem>>
    %dma_start3A_38 = arith.constant 0 : i32
    %dma_start3A_39 = arith.constant 0 : i32
    %dma_start3A_40 = tpu.memref_slice %arg3[%dma_start3A_38, %dma_start3A_39] : memref<100000x128xf32, #tpu.memory_space<hbm>> -> memref<100000x128xf32, #tpu.memory_space<hbm>>
    tpu.enqueue_indirect_dma source(%dma_start3A_40 : memref<100000x128xf32, #tpu.memory_space<hbm>>) target(%dma_start3A_34 : memref<50x128xf32, #tpu.memory_space<vmem>>) offsets(%dma_start3A_37 : memref<50xi32, #tpu.memory_space<vmem>>) semaphore(%arg7 : memref<!tpu.dma_semaphore, #tpu.memory_space<semaphore_mem>>)
    %dma_start3A_41 = arith.constant 3 : i32
    %dma_start3A_42 = arith.constant 0 : i32
    %dma_start3A_43 = arith.constant 3 : i32
    %dma_start3A_44 = arith.constant 0 : i32
    %dma_start3A_45 = arith.constant 0 : i32
    %dma_start3A_46 = tpu.memref_slice %arg6[%dma_start3A_42, %dma_start3A_43, %dma_start3A_44, %dma_start3A_45] : memref<2x4x50x128xf32, #tpu.memory_space<vmem>> -> memref<1x1x50x128xf32, #tpu.memory_space<vmem>>
    %dma_start3A_47 = tpu.memref_squeeze %dma_start3A_46 : memref<1x1x50x128xf32, #tpu.memory_space<vmem>> -> memref<50x128xf32, #tpu.memory_space<vmem>>
    %dma_start3A_48 = arith.constant 0 : i32
    %dma_start3A_49 = tpu.memref_slice %arg5[%dma_start3A_41, %dma_start3A_48] : memref<128x50xi32, #tpu.memory_space<vmem>> -> memref<1x50xi32, #tpu.memory_space<vmem>>
    %dma_start3A_50 = tpu.memref_squeeze %dma_start3A_49 : memref<1x50xi32, #tpu.memory_space<vmem>> -> memref<50xi32, #tpu.memory_space<vmem>>
    %dma_start3A_51 = arith.constant 0 : i32
    %dma_start3A_52 = arith.constant 0 : i32
    %dma_start3A_53 = tpu.memref_slice %arg3[%dma_start3A_51, %dma_start3A_52] : memref<100000x128xf32, #tpu.memory_space<hbm>> -> memref<100000x128xf32, #tpu.memory_space<hbm>>
    tpu.enqueue_indirect_dma source(%dma_start3A_53 : memref<100000x128xf32, #tpu.memory_space<hbm>>) target(%dma_start3A_47 : memref<50x128xf32, #tpu.memory_space<vmem>>) offsets(%dma_start3A_50 : memref<50xi32, #tpu.memory_space<vmem>>) semaphore(%arg7 : memref<!tpu.dma_semaphore, #tpu.memory_space<semaphore_mem>>)
    %dma_start3A_54 = arith.constant 4 : i32
    %dma_start3A_55 = arith.constant 1 : i32
    %dma_start3A_56 = arith.constant 0 : i32
    %dma_start3A_57 = arith.constant 0 : i32
    %dma_start3A_58 = arith.constant 0 : i32
    %dma_start3A_59 = tpu.memref_slice %arg6[%dma_start3A_55, %dma_start3A_56, %dma_start3A_57, %dma_start3A_58] : memref<2x4x50x128xf32, #tpu.memory_space<vmem>> -> memref<1x1x50x128xf32, #tpu.memory_space<vmem>>
    %dma_start3A_60 = tpu.memref_squeeze %dma_start3A_59 : memref<1x1x50x128xf32, #tpu.memory_space<vmem>> -> memref<50x128xf32, #tpu.memory_space<vmem>>
    %dma_start3A_61 = arith.constant 0 : i32
    %dma_start3A_62 = tpu.memref_slice %arg5[%dma_start3A_54, %dma_start3A_61] : memref<128x50xi32, #tpu.memory_space<vmem>> -> memref<1x50xi32, #tpu.memory_space<vmem>>
    %dma_start3A_63 = tpu.memref_squeeze %dma_start3A_62 : memref<1x50xi32, #tpu.memory_space<vmem>> -> memref<50xi32, #tpu.memory_space<vmem>>
    %dma_start3A_64 = arith.constant 0 : i32
    %dma_start3A_65 = arith.constant 0 : i32
    %dma_start3A_66 = tpu.memref_slice %arg3[%dma_start3A_64, %dma_start3A_65] : memref<100000x128xf32, #tpu.memory_space<hbm>> -> memref<100000x128xf32, #tpu.memory_space<hbm>>
    tpu.enqueue_indirect_dma source(%dma_start3A_66 : memref<100000x128xf32, #tpu.memory_space<hbm>>) target(%dma_start3A_60 : memref<50x128xf32, #tpu.memory_space<vmem>>) offsets(%dma_start3A_63 : memref<50xi32, #tpu.memory_space<vmem>>) semaphore(%arg7 : memref<!tpu.dma_semaphore, #tpu.memory_space<semaphore_mem>>)
    %dma_start3A_67 = arith.constant 5 : i32
    %dma_start3A_68 = arith.constant 1 : i32
    %dma_start3A_69 = arith.constant 1 : i32
    %dma_start3A_70 = arith.constant 0 : i32
    %dma_start3A_71 = arith.constant 0 : i32
    %dma_start3A_72 = tpu.memref_slice %arg6[%dma_start3A_68, %dma_start3A_69, %dma_start3A_70, %dma_start3A_71] : memref<2x4x50x128xf32, #tpu.memory_space<vmem>> -> memref<1x1x50x128xf32, #tpu.memory_space<vmem>>
    %dma_start3A_73 = tpu.memref_squeeze %dma_start3A_72 : memref<1x1x50x128xf32, #tpu.memory_space<vmem>> -> memref<50x128xf32, #tpu.memory_space<vmem>>
    %dma_start3A_74 = arith.constant 0 : i32
    %dma_start3A_75 = tpu.memref_slice %arg5[%dma_start3A_67, %dma_start3A_74] : memref<128x50xi32, #tpu.memory_space<vmem>> -> memref<1x50xi32, #tpu.memory_space<vmem>>
    %dma_start3A_76 = tpu.memref_squeeze %dma_start3A_75 : memref<1x50xi32, #tpu.memory_space<vmem>> -> memref<50xi32, #tpu.memory_space<vmem>>
    %dma_start3A_77 = arith.constant 0 : i32
    %dma_start3A_78 = arith.constant 0 : i32
    %dma_start3A_79 = tpu.memref_slice %arg3[%dma_start3A_77, %dma_start3A_78] : memref<100000x128xf32, #tpu.memory_space<hbm>> -> memref<100000x128xf32, #tpu.memory_space<hbm>>
    tpu.enqueue_indirect_dma source(%dma_start3A_79 : memref<100000x128xf32, #tpu.memory_space<hbm>>) target(%dma_start3A_73 : memref<50x128xf32, #tpu.memory_space<vmem>>) offsets(%dma_start3A_76 : memref<50xi32, #tpu.memory_space<vmem>>) semaphore(%arg7 : memref<!tpu.dma_semaphore, #tpu.memory_space<semaphore_mem>>)
    %dma_start3A_80 = arith.constant 6 : i32
    %dma_start3A_81 = arith.constant 1 : i32
    %dma_start3A_82 = arith.constant 2 : i32
    %dma_start3A_83 = arith.constant 0 : i32
    %dma_start3A_84 = arith.constant 0 : i32
    %dma_start3A_85 = tpu.memref_slice %arg6[%dma_start3A_81, %dma_start3A_82, %dma_start3A_83, %dma_start3A_84] : memref<2x4x50x128xf32, #tpu.memory_space<vmem>> -> memref<1x1x50x128xf32, #tpu.memory_space<vmem>>
    %dma_start3A_86 = tpu.memref_squeeze %dma_start3A_85 : memref<1x1x50x128xf32, #tpu.memory_space<vmem>> -> memref<50x128xf32, #tpu.memory_space<vmem>>
    %dma_start3A_87 = arith.constant 0 : i32
    %dma_start3A_88 = tpu.memref_slice %arg5[%dma_start3A_80, %dma_start3A_87] : memref<128x50xi32, #tpu.memory_space<vmem>> -> memref<1x50xi32, #tpu.memory_space<vmem>>
    %dma_start3A_89 = tpu.memref_squeeze %dma_start3A_88 : memref<1x50xi32, #tpu.memory_space<vmem>> -> memref<50xi32, #tpu.memory_space<vmem>>
    %dma_start3A_90 = arith.constant 0 : i32
    %dma_start3A_91 = arith.constant 0 : i32
    %dma_start3A_92 = tpu.memref_slice %arg3[%dma_start3A_90, %dma_start3A_91] : memref<100000x128xf32, #tpu.memory_space<hbm>> -> memref<100000x128xf32, #tpu.memory_space<hbm>>
    tpu.enqueue_indirect_dma source(%dma_start3A_92 : memref<100000x128xf32, #tpu.memory_space<hbm>>) target(%dma_start3A_86 : memref<50x128xf32, #tpu.memory_space<vmem>>) offsets(%dma_start3A_89 : memref<50xi32, #tpu.memory_space<vmem>>) semaphore(%arg7 : memref<!tpu.dma_semaphore, #tpu.memory_space<semaphore_mem>>)
    %dma_start3A_93 = arith.constant 7 : i32
    %dma_start3A_94 = arith.constant 1 : i32
    %dma_start3A_95 = arith.constant 3 : i32
    %dma_start3A_96 = arith.constant 0 : i32
    %dma_start3A_97 = arith.constant 0 : i32
    %dma_start3A_98 = tpu.memref_slice %arg6[%dma_start3A_94, %dma_start3A_95, %dma_start3A_96, %dma_start3A_97] : memref<2x4x50x128xf32, #tpu.memory_space<vmem>> -> memref<1x1x50x128xf32, #tpu.memory_space<vmem>>
    %dma_start3A_99 = tpu.memref_squeeze %dma_start3A_98 : memref<1x1x50x128xf32, #tpu.memory_space<vmem>> -> memref<50x128xf32, #tpu.memory_space<vmem>>
    %dma_start3A_100 = arith.constant 0 : i32
    %dma_start3A_101 = tpu.memref_slice %arg5[%dma_start3A_93, %dma_start3A_100] : memref<128x50xi32, #tpu.memory_space<vmem>> -> memref<1x50xi32, #tpu.memory_space<vmem>>
    %dma_start3A_102 = tpu.memref_squeeze %dma_start3A_101 : memref<1x50xi32, #tpu.memory_space<vmem>> -> memref<50xi32, #tpu.memory_space<vmem>>
    %dma_start3A_103 = arith.constant 0 : i32
    %dma_start3A_104 = arith.constant 0 : i32
    %dma_start3A_105 = tpu.memref_slice %arg3[%dma_start3A_103, %dma_start3A_104] : memref<100000x128xf32, #tpu.memory_space<hbm>> -> memref<100000x128xf32, #tpu.memory_space<hbm>>
    tpu.enqueue_indirect_dma source(%dma_start3A_105 : memref<100000x128xf32, #tpu.memory_space<hbm>>) target(%dma_start3A_99 : memref<50x128xf32, #tpu.memory_space<vmem>>) offsets(%dma_start3A_102 : memref<50xi32, #tpu.memory_space<vmem>>) semaphore(%arg7 : memref<!tpu.dma_semaphore, #tpu.memory_space<semaphore_mem>>)
    %dma_wait3A = arith.constant 0 : i32
    %dma_wait3A_106 = arith.constant 0 : i32
    %dma_wait3A_107 = arith.constant 0 : i32
    %dma_wait3A_108 = arith.constant 0 : i32
    %dma_wait3A_109 = arith.constant 0 : i32
    %dma_wait3A_110 = tpu.memref_slice %arg6[%dma_wait3A_106, %dma_wait3A_107, %dma_wait3A_108, %dma_wait3A_109] : memref<2x4x50x128xf32, #tpu.memory_space<vmem>> -> memref<1x1x50x128xf32, #tpu.memory_space<vmem>>
    %dma_wait3A_111 = tpu.memref_squeeze %dma_wait3A_110 : memref<1x1x50x128xf32, #tpu.memory_space<vmem>> -> memref<50x128xf32, #tpu.memory_space<vmem>>
    %dma_wait3A_112 = arith.constant 0 : i32
    %dma_wait3A_113 = tpu.memref_slice %arg5[%dma_wait3A, %dma_wait3A_112] : memref<128x50xi32, #tpu.memory_space<vmem>> -> memref<1x50xi32, #tpu.memory_space<vmem>>
    %dma_wait3A_114 = tpu.memref_squeeze %dma_wait3A_113 : memref<1x50xi32, #tpu.memory_space<vmem>> -> memref<50xi32, #tpu.memory_space<vmem>>
    %dma_wait3A_115 = arith.constant 0 : i32
    %dma_wait3A_116 = arith.constant 0 : i32
    %dma_wait3A_117 = tpu.memref_slice %arg3[%dma_wait3A_115, %dma_wait3A_116] : memref<100000x128xf32, #tpu.memory_space<hbm>> -> memref<100000x128xf32, #tpu.memory_space<hbm>>
    tpu.wait_indirect_dma semaphore(%arg7 : memref<!tpu.dma_semaphore, #tpu.memory_space<semaphore_mem>>) src(%dma_wait3A_117 : memref<100000x128xf32, #tpu.memory_space<hbm>>) dst(%dma_wait3A_111 : memref<50x128xf32, #tpu.memory_space<vmem>>)
    %dma_wait3A_118 = arith.constant 1 : i32
    %dma_wait3A_119 = arith.constant 0 : i32
    %dma_wait3A_120 = arith.constant 1 : i32
    %dma_wait3A_121 = arith.constant 0 : i32
    %dma_wait3A_122 = arith.constant 0 : i32
    %dma_wait3A_123 = tpu.memref_slice %arg6[%dma_wait3A_119, %dma_wait3A_120, %dma_wait3A_121, %dma_wait3A_122] : memref<2x4x50x128xf32, #tpu.memory_space<vmem>> -> memref<1x1x50x128xf32, #tpu.memory_space<vmem>>
    %dma_wait3A_124 = tpu.memref_squeeze %dma_wait3A_123 : memref<1x1x50x128xf32, #tpu.memory_space<vmem>> -> memref<50x128xf32, #tpu.memory_space<vmem>>
    %dma_wait3A_125 = arith.constant 0 : i32
    %dma_wait3A_126 = tpu.memref_slice %arg5[%dma_wait3A_118, %dma_wait3A_125] : memref<128x50xi32, #tpu.memory_space<vmem>> -> memref<1x50xi32, #tpu.memory_space<vmem>>
    %dma_wait3A_127 = tpu.memref_squeeze %dma_wait3A_126 : memref<1x50xi32, #tpu.memory_space<vmem>> -> memref<50xi32, #tpu.memory_space<vmem>>
    %dma_wait3A_128 = arith.constant 0 : i32
    %dma_wait3A_129 = arith.constant 0 : i32
    %dma_wait3A_130 = tpu.memref_slice %arg3[%dma_wait3A_128, %dma_wait3A_129] : memref<100000x128xf32, #tpu.memory_space<hbm>> -> memref<100000x128xf32, #tpu.memory_space<hbm>>
    tpu.wait_indirect_dma semaphore(%arg7 : memref<!tpu.dma_semaphore, #tpu.memory_space<semaphore_mem>>) src(%dma_wait3A_130 : memref<100000x128xf32, #tpu.memory_space<hbm>>) dst(%dma_wait3A_124 : memref<50x128xf32, #tpu.memory_space<vmem>>)
    %dma_wait3A_131 = arith.constant 2 : i32
    %dma_wait3A_132 = arith.constant 0 : i32
    %dma_wait3A_133 = arith.constant 2 : i32
    %dma_wait3A_134 = arith.constant 0 : i32
    %dma_wait3A_135 = arith.constant 0 : i32
    %dma_wait3A_136 = tpu.memref_slice %arg6[%dma_wait3A_132, %dma_wait3A_133, %dma_wait3A_134, %dma_wait3A_135] : memref<2x4x50x128xf32, #tpu.memory_space<vmem>> -> memref<1x1x50x128xf32, #tpu.memory_space<vmem>>
    %dma_wait3A_137 = tpu.memref_squeeze %dma_wait3A_136 : memref<1x1x50x128xf32, #tpu.memory_space<vmem>> -> memref<50x128xf32, #tpu.memory_space<vmem>>
    %dma_wait3A_138 = arith.constant 0 : i32
    %dma_wait3A_139 = tpu.memref_slice %arg5[%dma_wait3A_131, %dma_wait3A_138] : memref<128x50xi32, #tpu.memory_space<vmem>> -> memref<1x50xi32, #tpu.memory_space<vmem>>
    %dma_wait3A_140 = tpu.memref_squeeze %dma_wait3A_139 : memref<1x50xi32, #tpu.memory_space<vmem>> -> memref<50xi32, #tpu.memory_space<vmem>>
    %dma_wait3A_141 = arith.constant 0 : i32
    %dma_wait3A_142 = arith.constant 0 : i32
    %dma_wait3A_143 = tpu.memref_slice %arg3[%dma_wait3A_141, %dma_wait3A_142] : memref<100000x128xf32, #tpu.memory_space<hbm>> -> memref<100000x128xf32, #tpu.memory_space<hbm>>
    tpu.wait_indirect_dma semaphore(%arg7 : memref<!tpu.dma_semaphore, #tpu.memory_space<semaphore_mem>>) src(%dma_wait3A_143 : memref<100000x128xf32, #tpu.memory_space<hbm>>) dst(%dma_wait3A_137 : memref<50x128xf32, #tpu.memory_space<vmem>>)
    %dma_wait3A_144 = arith.constant 3 : i32
    %dma_wait3A_145 = arith.constant 0 : i32
    %dma_wait3A_146 = arith.constant 3 : i32
    %dma_wait3A_147 = arith.constant 0 : i32
    %dma_wait3A_148 = arith.constant 0 : i32
    %dma_wait3A_149 = tpu.memref_slice %arg6[%dma_wait3A_145, %dma_wait3A_146, %dma_wait3A_147, %dma_wait3A_148] : memref<2x4x50x128xf32, #tpu.memory_space<vmem>> -> memref<1x1x50x128xf32, #tpu.memory_space<vmem>>
    %dma_wait3A_150 = tpu.memref_squeeze %dma_wait3A_149 : memref<1x1x50x128xf32, #tpu.memory_space<vmem>> -> memref<50x128xf32, #tpu.memory_space<vmem>>
    %dma_wait3A_151 = arith.constant 0 : i32
    %dma_wait3A_152 = tpu.memref_slice %arg5[%dma_wait3A_144, %dma_wait3A_151] : memref<128x50xi32, #tpu.memory_space<vmem>> -> memref<1x50xi32, #tpu.memory_space<vmem>>
    %dma_wait3A_153 = tpu.memref_squeeze %dma_wait3A_152 : memref<1x50xi32, #tpu.memory_space<vmem>> -> memref<50xi32, #tpu.memory_space<vmem>>
    %dma_wait3A_154 = arith.constant 0 : i32
    %dma_wait3A_155 = arith.constant 0 : i32
    %dma_wait3A_156 = tpu.memref_slice %arg3[%dma_wait3A_154, %dma_wait3A_155] : memref<100000x128xf32, #tpu.memory_space<hbm>> -> memref<100000x128xf32, #tpu.memory_space<hbm>>
    tpu.wait_indirect_dma semaphore(%arg7 : memref<!tpu.dma_semaphore, #tpu.memory_space<semaphore_mem>>) src(%dma_wait3A_156 : memref<100000x128xf32, #tpu.memory_space<hbm>>) dst(%dma_wait3A_150 : memref<50x128xf32, #tpu.memory_space<vmem>>)
    %add3A_157 = arith.constant 0 : i32
    %add3A_158 = arith.addi %mul3A_2, %add3A_157 : i32
    %dma_start3A_159 = arith.constant 0 : i32
    %dma_start3A_160 = arith.constant 0 : i32
    %dma_start3A_161 = arith.constant 0 : i32
    %dma_start3A_162 = arith.constant 0 : i32
    %dma_start3A_163 = tpu.memref_slice %arg6[%dma_start3A_159, %dma_start3A_160, %dma_start3A_161, %dma_start3A_162] : memref<2x4x50x128xf32, #tpu.memory_space<vmem>> -> memref<1x4x50x128xf32, #tpu.memory_space<vmem>>
    %dma_start3A_164 = tpu.memref_squeeze %dma_start3A_163 : memref<1x4x50x128xf32, #tpu.memory_space<vmem>> -> memref<4x50x128xf32, #tpu.memory_space<vmem>>
    %dma_start3A_165 = arith.constant 0 : i32
    %dma_start3A_166 = arith.constant 0 : i32
    %dma_start3A_167 = tpu.memref_slice %arg4[%add3A_158, %dma_start3A_165, %dma_start3A_166] : memref<4096x50x128xf32, #tpu.memory_space<hbm>> -> memref<4x50x128xf32, #tpu.memory_space<hbm>>
    %dma_start3A_168 = arith.constant 0 : i32
    %dma_start3A_169 = arith.constant 0 : i32
    %dma_start3A_170 = tpu.memref_slice %arg4[%add3A_158, %dma_start3A_168, %dma_start3A_169] : memref<4096x50x128xf32, #tpu.memory_space<hbm>> -> memref<4x50x128xf32, #tpu.memory_space<hbm>>
    %dma_start3A_171 = arith.constant 0 : i32
    %dma_start3A_172 = arith.constant 0 : i32
    %dma_start3A_173 = arith.constant 0 : i32
    %dma_start3A_174 = tpu.memref_slice %arg6[%dma_start3A_159, %dma_start3A_171, %dma_start3A_172, %dma_start3A_173] : memref<2x4x50x128xf32, #tpu.memory_space<vmem>> -> memref<1x4x50x128xf32, #tpu.memory_space<vmem>>
    %dma_start3A_175 = tpu.memref_squeeze %dma_start3A_174 : memref<1x4x50x128xf32, #tpu.memory_space<vmem>> -> memref<4x50x128xf32, #tpu.memory_space<vmem>>
    tpu.enqueue_dma source(%dma_start3A_175 : memref<4x50x128xf32, #tpu.memory_space<vmem>>) target(%dma_start3A_170 : memref<4x50x128xf32, #tpu.memory_space<hbm>>) target_semaphore(%arg8 : memref<!tpu.dma_semaphore, #tpu.memory_space<semaphore_mem>>)
    %scan3A = arith.constant 0 : i32
    %scan3A_176 = arith.constant 0 : i32
    %scan3A_177 = arith.constant 15 : i32
    %scan3A_178 = arith.addi %scan3A_176, %scan3A_177 : i32
    %scan3A_179 = arith.constant 1 : i32
    scf.for %scan3A_290 = %scan3A_176 to %scan3A_178 step %scan3A_179  : i32 {
      %mul3A_291 = arith.constant 2 : i32
      %mul3A_292 = arith.muli %scan3A_290, %mul3A_291 : i32
      %add3A_293 = arith.constant 1 : i32
      %add3A_294 = arith.addi %add3A_293, %mul3A_292 : i32
      %add3A_295 = arith.constant 0 : i32
      %add3A_296 = arith.addi %add3A_294, %add3A_295 : i32
      %mul3A_297 = arith.constant 4 : i32
      %mul3A_298 = arith.muli %add3A_296, %mul3A_297 : i32
      %add3A_299 = arith.constant 0 : i32
      %add3A_300 = arith.addi %mul3A_298, %add3A_299 : i32
      %dma_wait3A_301 = arith.constant 1 : i32
      %dma_wait3A_302 = arith.constant 0 : i32
      %dma_wait3A_303 = arith.constant 0 : i32
      %dma_wait3A_304 = arith.constant 0 : i32
      %dma_wait3A_305 = tpu.memref_slice %arg6[%dma_wait3A_301, %dma_wait3A_302, %dma_wait3A_303, %dma_wait3A_304] : memref<2x4x50x128xf32, #tpu.memory_space<vmem>> -> memref<1x1x50x128xf32, #tpu.memory_space<vmem>>
      %dma_wait3A_306 = tpu.memref_squeeze %dma_wait3A_305 : memref<1x1x50x128xf32, #tpu.memory_space<vmem>> -> memref<50x128xf32, #tpu.memory_space<vmem>>
      %dma_wait3A_307 = arith.constant 0 : i32
      %dma_wait3A_308 = tpu.memref_slice %arg5[%add3A_300, %dma_wait3A_307] : memref<128x50xi32, #tpu.memory_space<vmem>> -> memref<1x50xi32, #tpu.memory_space<vmem>>
      %dma_wait3A_309 = tpu.memref_squeeze %dma_wait3A_308 : memref<1x50xi32, #tpu.memory_space<vmem>> -> memref<50xi32, #tpu.memory_space<vmem>>
      %dma_wait3A_310 = arith.constant 0 : i32
      %dma_wait3A_311 = arith.constant 0 : i32
      %dma_wait3A_312 = tpu.memref_slice %arg3[%dma_wait3A_310, %dma_wait3A_311] : memref<100000x128xf32, #tpu.memory_space<hbm>> -> memref<100000x128xf32, #tpu.memory_space<hbm>>
      tpu.wait_indirect_dma semaphore(%arg7 : memref<!tpu.dma_semaphore, #tpu.memory_space<semaphore_mem>>) src(%dma_wait3A_312 : memref<100000x128xf32, #tpu.memory_space<hbm>>) dst(%dma_wait3A_306 : memref<50x128xf32, #tpu.memory_space<vmem>>)
      %mul3A_313 = arith.constant 4 : i32
      %mul3A_314 = arith.muli %add3A_296, %mul3A_313 : i32
      %add3A_315 = arith.constant 1 : i32
      %add3A_316 = arith.addi %mul3A_314, %add3A_315 : i32
      %dma_wait3A_317 = arith.constant 1 : i32
      %dma_wait3A_318 = arith.constant 1 : i32
      %dma_wait3A_319 = arith.constant 0 : i32
      %dma_wait3A_320 = arith.constant 0 : i32
      %dma_wait3A_321 = tpu.memref_slice %arg6[%dma_wait3A_317, %dma_wait3A_318, %dma_wait3A_319, %dma_wait3A_320] : memref<2x4x50x128xf32, #tpu.memory_space<vmem>> -> memref<1x1x50x128xf32, #tpu.memory_space<vmem>>
      %dma_wait3A_322 = tpu.memref_squeeze %dma_wait3A_321 : memref<1x1x50x128xf32, #tpu.memory_space<vmem>> -> memref<50x128xf32, #tpu.memory_space<vmem>>
      %dma_wait3A_323 = arith.constant 0 : i32
      %dma_wait3A_324 = tpu.memref_slice %arg5[%add3A_316, %dma_wait3A_323] : memref<128x50xi32, #tpu.memory_space<vmem>> -> memref<1x50xi32, #tpu.memory_space<vmem>>
      %dma_wait3A_325 = tpu.memref_squeeze %dma_wait3A_324 : memref<1x50xi32, #tpu.memory_space<vmem>> -> memref<50xi32, #tpu.memory_space<vmem>>
      %dma_wait3A_326 = arith.constant 0 : i32
      %dma_wait3A_327 = arith.constant 0 : i32
      %dma_wait3A_328 = tpu.memref_slice %arg3[%dma_wait3A_326, %dma_wait3A_327] : memref<100000x128xf32, #tpu.memory_space<hbm>> -> memref<100000x128xf32, #tpu.memory_space<hbm>>
      tpu.wait_indirect_dma semaphore(%arg7 : memref<!tpu.dma_semaphore, #tpu.memory_space<semaphore_mem>>) src(%dma_wait3A_328 : memref<100000x128xf32, #tpu.memory_space<hbm>>) dst(%dma_wait3A_322 : memref<50x128xf32, #tpu.memory_space<vmem>>)
      %mul3A_329 = arith.constant 4 : i32
      %mul3A_330 = arith.muli %add3A_296, %mul3A_329 : i32
      %add3A_331 = arith.constant 2 : i32
      %add3A_332 = arith.addi %mul3A_330, %add3A_331 : i32
      %dma_wait3A_333 = arith.constant 1 : i32
      %dma_wait3A_334 = arith.constant 2 : i32
      %dma_wait3A_335 = arith.constant 0 : i32
      %dma_wait3A_336 = arith.constant 0 : i32
      %dma_wait3A_337 = tpu.memref_slice %arg6[%dma_wait3A_333, %dma_wait3A_334, %dma_wait3A_335, %dma_wait3A_336] : memref<2x4x50x128xf32, #tpu.memory_space<vmem>> -> memref<1x1x50x128xf32, #tpu.memory_space<vmem>>
      %dma_wait3A_338 = tpu.memref_squeeze %dma_wait3A_337 : memref<1x1x50x128xf32, #tpu.memory_space<vmem>> -> memref<50x128xf32, #tpu.memory_space<vmem>>
      %dma_wait3A_339 = arith.constant 0 : i32
      %dma_wait3A_340 = tpu.memref_slice %arg5[%add3A_332, %dma_wait3A_339] : memref<128x50xi32, #tpu.memory_space<vmem>> -> memref<1x50xi32, #tpu.memory_space<vmem>>
      %dma_wait3A_341 = tpu.memref_squeeze %dma_wait3A_340 : memref<1x50xi32, #tpu.memory_space<vmem>> -> memref<50xi32, #tpu.memory_space<vmem>>
      %dma_wait3A_342 = arith.constant 0 : i32
      %dma_wait3A_343 = arith.constant 0 : i32
      %dma_wait3A_344 = tpu.memref_slice %arg3[%dma_wait3A_342, %dma_wait3A_343] : memref<100000x128xf32, #tpu.memory_space<hbm>> -> memref<100000x128xf32, #tpu.memory_space<hbm>>
      tpu.wait_indirect_dma semaphore(%arg7 : memref<!tpu.dma_semaphore, #tpu.memory_space<semaphore_mem>>) src(%dma_wait3A_344 : memref<100000x128xf32, #tpu.memory_space<hbm>>) dst(%dma_wait3A_338 : memref<50x128xf32, #tpu.memory_space<vmem>>)
      %mul3A_345 = arith.constant 4 : i32
      %mul3A_346 = arith.muli %add3A_296, %mul3A_345 : i32
      %add3A_347 = arith.constant 3 : i32
      %add3A_348 = arith.addi %mul3A_346, %add3A_347 : i32
      %dma_wait3A_349 = arith.constant 1 : i32
      %dma_wait3A_350 = arith.constant 3 : i32
      %dma_wait3A_351 = arith.constant 0 : i32
      %dma_wait3A_352 = arith.constant 0 : i32
      %dma_wait3A_353 = tpu.memref_slice %arg6[%dma_wait3A_349, %dma_wait3A_350, %dma_wait3A_351, %dma_wait3A_352] : memref<2x4x50x128xf32, #tpu.memory_space<vmem>> -> memref<1x1x50x128xf32, #tpu.memory_space<vmem>>
      %dma_wait3A_354 = tpu.memref_squeeze %dma_wait3A_353 : memref<1x1x50x128xf32, #tpu.memory_space<vmem>> -> memref<50x128xf32, #tpu.memory_space<vmem>>
      %dma_wait3A_355 = arith.constant 0 : i32
      %dma_wait3A_356 = tpu.memref_slice %arg5[%add3A_348, %dma_wait3A_355] : memref<128x50xi32, #tpu.memory_space<vmem>> -> memref<1x50xi32, #tpu.memory_space<vmem>>
      %dma_wait3A_357 = tpu.memref_squeeze %dma_wait3A_356 : memref<1x50xi32, #tpu.memory_space<vmem>> -> memref<50xi32, #tpu.memory_space<vmem>>
      %dma_wait3A_358 = arith.constant 0 : i32
      %dma_wait3A_359 = arith.constant 0 : i32
      %dma_wait3A_360 = tpu.memref_slice %arg3[%dma_wait3A_358, %dma_wait3A_359] : memref<100000x128xf32, #tpu.memory_space<hbm>> -> memref<100000x128xf32, #tpu.memory_space<hbm>>
      tpu.wait_indirect_dma semaphore(%arg7 : memref<!tpu.dma_semaphore, #tpu.memory_space<semaphore_mem>>) src(%dma_wait3A_360 : memref<100000x128xf32, #tpu.memory_space<hbm>>) dst(%dma_wait3A_354 : memref<50x128xf32, #tpu.memory_space<vmem>>)
      %mul3A_361 = arith.constant 4 : i32
      %mul3A_362 = arith.muli %add3A_296, %mul3A_361 : i32
      %add3A_363 = arith.addi %mul3A_2, %mul3A_362 : i32
      %dma_start3A_364 = arith.constant 1 : i32
      %dma_start3A_365 = arith.constant 0 : i32
      %dma_start3A_366 = arith.constant 0 : i32
      %dma_start3A_367 = arith.constant 0 : i32
      %dma_start3A_368 = tpu.memref_slice %arg6[%dma_start3A_364, %dma_start3A_365, %dma_start3A_366, %dma_start3A_367] : memref<2x4x50x128xf32, #tpu.memory_space<vmem>> -> memref<1x4x50x128xf32, #tpu.memory_space<vmem>>
      %dma_start3A_369 = tpu.memref_squeeze %dma_start3A_368 : memref<1x4x50x128xf32, #tpu.memory_space<vmem>> -> memref<4x50x128xf32, #tpu.memory_space<vmem>>
      %dma_start3A_370 = arith.constant 0 : i32
      %dma_start3A_371 = arith.constant 0 : i32
      %dma_start3A_372 = tpu.memref_slice %arg4[%add3A_363, %dma_start3A_370, %dma_start3A_371] : memref<4096x50x128xf32, #tpu.memory_space<hbm>> -> memref<4x50x128xf32, #tpu.memory_space<hbm>>
      %dma_start3A_373 = arith.constant 0 : i32
      %dma_start3A_374 = arith.constant 0 : i32
      %dma_start3A_375 = tpu.memref_slice %arg4[%add3A_363, %dma_start3A_373, %dma_start3A_374] : memref<4096x50x128xf32, #tpu.memory_space<hbm>> -> memref<4x50x128xf32, #tpu.memory_space<hbm>>
      %dma_start3A_376 = arith.constant 0 : i32
      %dma_start3A_377 = arith.constant 0 : i32
      %dma_start3A_378 = arith.constant 0 : i32
      %dma_start3A_379 = tpu.memref_slice %arg6[%dma_start3A_364, %dma_start3A_376, %dma_start3A_377, %dma_start3A_378] : memref<2x4x50x128xf32, #tpu.memory_space<vmem>> -> memref<1x4x50x128xf32, #tpu.memory_space<vmem>>
      %dma_start3A_380 = tpu.memref_squeeze %dma_start3A_379 : memref<1x4x50x128xf32, #tpu.memory_space<vmem>> -> memref<4x50x128xf32, #tpu.memory_space<vmem>>
      tpu.enqueue_dma source(%dma_start3A_380 : memref<4x50x128xf32, #tpu.memory_space<vmem>>) target(%dma_start3A_375 : memref<4x50x128xf32, #tpu.memory_space<hbm>>) target_semaphore(%arg8 : memref<!tpu.dma_semaphore, #tpu.memory_space<semaphore_mem>>)
      %sub3A = arith.constant 1 : i32
      %sub3A_381 = arith.subi %add3A_296, %sub3A : i32
      %mul3A_382 = arith.constant 4 : i32
      %mul3A_383 = arith.muli %sub3A_381, %mul3A_382 : i32
      %add3A_384 = arith.addi %mul3A_2, %mul3A_383 : i32
      %dma_wait3A_385 = arith.constant 0 : i32
      %dma_wait3A_386 = arith.constant 0 : i32
      %dma_wait3A_387 = arith.constant 0 : i32
      %dma_wait3A_388 = arith.constant 0 : i32
      %dma_wait3A_389 = tpu.memref_slice %arg6[%dma_wait3A_385, %dma_wait3A_386, %dma_wait3A_387, %dma_wait3A_388] : memref<2x4x50x128xf32, #tpu.memory_space<vmem>> -> memref<1x4x50x128xf32, #tpu.memory_space<vmem>>
      %dma_wait3A_390 = tpu.memref_squeeze %dma_wait3A_389 : memref<1x4x50x128xf32, #tpu.memory_space<vmem>> -> memref<4x50x128xf32, #tpu.memory_space<vmem>>
      %dma_wait3A_391 = arith.constant 0 : i32
      %dma_wait3A_392 = arith.constant 0 : i32
      %dma_wait3A_393 = tpu.memref_slice %arg4[%add3A_384, %dma_wait3A_391, %dma_wait3A_392] : memref<4096x50x128xf32, #tpu.memory_space<hbm>> -> memref<4x50x128xf32, #tpu.memory_space<hbm>>
      %dma_wait3A_394 = arith.constant 0 : i32
      %dma_wait3A_395 = arith.constant 0 : i32
      %dma_wait3A_396 = tpu.memref_slice %arg4[%add3A_384, %dma_wait3A_394, %dma_wait3A_395] : memref<4096x50x128xf32, #tpu.memory_space<hbm>> -> memref<4x50x128xf32, #tpu.memory_space<hbm>>
      %dma_wait3A_397 = arith.constant 0 : i32
      %dma_wait3A_398 = arith.constant 0 : i32
      %dma_wait3A_399 = arith.constant 0 : i32
      %dma_wait3A_400 = tpu.memref_slice %arg6[%dma_wait3A_385, %dma_wait3A_397, %dma_wait3A_398, %dma_wait3A_399] : memref<2x4x50x128xf32, #tpu.memory_space<vmem>> -> memref<1x4x50x128xf32, #tpu.memory_space<vmem>>
      %dma_wait3A_401 = tpu.memref_squeeze %dma_wait3A_400 : memref<1x4x50x128xf32, #tpu.memory_space<vmem>> -> memref<4x50x128xf32, #tpu.memory_space<vmem>>
      tpu.wait_dma2 semaphore(%arg8 : memref<!tpu.dma_semaphore, #tpu.memory_space<semaphore_mem>>) src(%dma_wait3A_401 : memref<4x50x128xf32, #tpu.memory_space<vmem>>) dst(%dma_wait3A_396 : memref<4x50x128xf32, #tpu.memory_space<hbm>>)
      %sub3A_402 = arith.constant 1 : i32
      %sub3A_403 = arith.subi %add3A_296, %sub3A_402 : i32
      %add3A_404 = arith.constant 2 : i32
      %add3A_405 = arith.addi %sub3A_403, %add3A_404 : i32
      %mul3A_406 = arith.constant 4 : i32
      %mul3A_407 = arith.muli %add3A_405, %mul3A_406 : i32
      %add3A_408 = arith.constant 0 : i32
      %add3A_409 = arith.addi %mul3A_407, %add3A_408 : i32
      %dma_start3A_410 = arith.constant 0 : i32
      %dma_start3A_411 = arith.constant 0 : i32
      %dma_start3A_412 = arith.constant 0 : i32
      %dma_start3A_413 = arith.constant 0 : i32
      %dma_start3A_414 = tpu.memref_slice %arg6[%dma_start3A_410, %dma_start3A_411, %dma_start3A_412, %dma_start3A_413] : memref<2x4x50x128xf32, #tpu.memory_space<vmem>> -> memref<1x1x50x128xf32, #tpu.memory_space<vmem>>
      %dma_start3A_415 = tpu.memref_squeeze %dma_start3A_414 : memref<1x1x50x128xf32, #tpu.memory_space<vmem>> -> memref<50x128xf32, #tpu.memory_space<vmem>>
      %dma_start3A_416 = arith.constant 0 : i32
      %dma_start3A_417 = tpu.memref_slice %arg5[%add3A_409, %dma_start3A_416] : memref<128x50xi32, #tpu.memory_space<vmem>> -> memref<1x50xi32, #tpu.memory_space<vmem>>
      %dma_start3A_418 = tpu.memref_squeeze %dma_start3A_417 : memref<1x50xi32, #tpu.memory_space<vmem>> -> memref<50xi32, #tpu.memory_space<vmem>>
      %dma_start3A_419 = arith.constant 0 : i32
      %dma_start3A_420 = arith.constant 0 : i32
      %dma_start3A_421 = tpu.memref_slice %arg3[%dma_start3A_419, %dma_start3A_420] : memref<100000x128xf32, #tpu.memory_space<hbm>> -> memref<100000x128xf32, #tpu.memory_space<hbm>>
      tpu.enqueue_indirect_dma source(%dma_start3A_421 : memref<100000x128xf32, #tpu.memory_space<hbm>>) target(%dma_start3A_415 : memref<50x128xf32, #tpu.memory_space<vmem>>) offsets(%dma_start3A_418 : memref<50xi32, #tpu.memory_space<vmem>>) semaphore(%arg7 : memref<!tpu.dma_semaphore, #tpu.memory_space<semaphore_mem>>)
      %mul3A_422 = arith.constant 4 : i32
      %mul3A_423 = arith.muli %add3A_405, %mul3A_422 : i32
      %add3A_424 = arith.constant 1 : i32
      %add3A_425 = arith.addi %mul3A_423, %add3A_424 : i32
      %dma_start3A_426 = arith.constant 0 : i32
      %dma_start3A_427 = arith.constant 1 : i32
      %dma_start3A_428 = arith.constant 0 : i32
      %dma_start3A_429 = arith.constant 0 : i32
      %dma_start3A_430 = tpu.memref_slice %arg6[%dma_start3A_426, %dma_start3A_427, %dma_start3A_428, %dma_start3A_429] : memref<2x4x50x128xf32, #tpu.memory_space<vmem>> -> memref<1x1x50x128xf32, #tpu.memory_space<vmem>>
      %dma_start3A_431 = tpu.memref_squeeze %dma_start3A_430 : memref<1x1x50x128xf32, #tpu.memory_space<vmem>> -> memref<50x128xf32, #tpu.memory_space<vmem>>
      %dma_start3A_432 = arith.constant 0 : i32
      %dma_start3A_433 = tpu.memref_slice %arg5[%add3A_425, %dma_start3A_432] : memref<128x50xi32, #tpu.memory_space<vmem>> -> memref<1x50xi32, #tpu.memory_space<vmem>>
      %dma_start3A_434 = tpu.memref_squeeze %dma_start3A_433 : memref<1x50xi32, #tpu.memory_space<vmem>> -> memref<50xi32, #tpu.memory_space<vmem>>
      %dma_start3A_435 = arith.constant 0 : i32
      %dma_start3A_436 = arith.constant 0 : i32
      %dma_start3A_437 = tpu.memref_slice %arg3[%dma_start3A_435, %dma_start3A_436] : memref<100000x128xf32, #tpu.memory_space<hbm>> -> memref<100000x128xf32, #tpu.memory_space<hbm>>
      tpu.enqueue_indirect_dma source(%dma_start3A_437 : memref<100000x128xf32, #tpu.memory_space<hbm>>) target(%dma_start3A_431 : memref<50x128xf32, #tpu.memory_space<vmem>>) offsets(%dma_start3A_434 : memref<50xi32, #tpu.memory_space<vmem>>) semaphore(%arg7 : memref<!tpu.dma_semaphore, #tpu.memory_space<semaphore_mem>>)
      %mul3A_438 = arith.constant 4 : i32
      %mul3A_439 = arith.muli %add3A_405, %mul3A_438 : i32
      %add3A_440 = arith.constant 2 : i32
      %add3A_441 = arith.addi %mul3A_439, %add3A_440 : i32
      %dma_start3A_442 = arith.constant 0 : i32
      %dma_start3A_443 = arith.constant 2 : i32
      %dma_start3A_444 = arith.constant 0 : i32
      %dma_start3A_445 = arith.constant 0 : i32
      %dma_start3A_446 = tpu.memref_slice %arg6[%dma_start3A_442, %dma_start3A_443, %dma_start3A_444, %dma_start3A_445] : memref<2x4x50x128xf32, #tpu.memory_space<vmem>> -> memref<1x1x50x128xf32, #tpu.memory_space<vmem>>
      %dma_start3A_447 = tpu.memref_squeeze %dma_start3A_446 : memref<1x1x50x128xf32, #tpu.memory_space<vmem>> -> memref<50x128xf32, #tpu.memory_space<vmem>>
      %dma_start3A_448 = arith.constant 0 : i32
      %dma_start3A_449 = tpu.memref_slice %arg5[%add3A_441, %dma_start3A_448] : memref<128x50xi32, #tpu.memory_space<vmem>> -> memref<1x50xi32, #tpu.memory_space<vmem>>
      %dma_start3A_450 = tpu.memref_squeeze %dma_start3A_449 : memref<1x50xi32, #tpu.memory_space<vmem>> -> memref<50xi32, #tpu.memory_space<vmem>>
      %dma_start3A_451 = arith.constant 0 : i32
      %dma_start3A_452 = arith.constant 0 : i32
      %dma_start3A_453 = tpu.memref_slice %arg3[%dma_start3A_451, %dma_start3A_452] : memref<100000x128xf32, #tpu.memory_space<hbm>> -> memref<100000x128xf32, #tpu.memory_space<hbm>>
      tpu.enqueue_indirect_dma source(%dma_start3A_453 : memref<100000x128xf32, #tpu.memory_space<hbm>>) target(%dma_start3A_447 : memref<50x128xf32, #tpu.memory_space<vmem>>) offsets(%dma_start3A_450 : memref<50xi32, #tpu.memory_space<vmem>>) semaphore(%arg7 : memref<!tpu.dma_semaphore, #tpu.memory_space<semaphore_mem>>)
      %mul3A_454 = arith.constant 4 : i32
      %mul3A_455 = arith.muli %add3A_405, %mul3A_454 : i32
      %add3A_456 = arith.constant 3 : i32
      %add3A_457 = arith.addi %mul3A_455, %add3A_456 : i32
      %dma_start3A_458 = arith.constant 0 : i32
      %dma_start3A_459 = arith.constant 3 : i32
      %dma_start3A_460 = arith.constant 0 : i32
      %dma_start3A_461 = arith.constant 0 : i32
      %dma_start3A_462 = tpu.memref_slice %arg6[%dma_start3A_458, %dma_start3A_459, %dma_start3A_460, %dma_start3A_461] : memref<2x4x50x128xf32, #tpu.memory_space<vmem>> -> memref<1x1x50x128xf32, #tpu.memory_space<vmem>>
      %dma_start3A_463 = tpu.memref_squeeze %dma_start3A_462 : memref<1x1x50x128xf32, #tpu.memory_space<vmem>> -> memref<50x128xf32, #tpu.memory_space<vmem>>
      %dma_start3A_464 = arith.constant 0 : i32
      %dma_start3A_465 = tpu.memref_slice %arg5[%add3A_457, %dma_start3A_464] : memref<128x50xi32, #tpu.memory_space<vmem>> -> memref<1x50xi32, #tpu.memory_space<vmem>>
      %dma_start3A_466 = tpu.memref_squeeze %dma_start3A_465 : memref<1x50xi32, #tpu.memory_space<vmem>> -> memref<50xi32, #tpu.memory_space<vmem>>
      %dma_start3A_467 = arith.constant 0 : i32
      %dma_start3A_468 = arith.constant 0 : i32
      %dma_start3A_469 = tpu.memref_slice %arg3[%dma_start3A_467, %dma_start3A_468] : memref<100000x128xf32, #tpu.memory_space<hbm>> -> memref<100000x128xf32, #tpu.memory_space<hbm>>
      tpu.enqueue_indirect_dma source(%dma_start3A_469 : memref<100000x128xf32, #tpu.memory_space<hbm>>) target(%dma_start3A_463 : memref<50x128xf32, #tpu.memory_space<vmem>>) offsets(%dma_start3A_466 : memref<50xi32, #tpu.memory_space<vmem>>) semaphore(%arg7 : memref<!tpu.dma_semaphore, #tpu.memory_space<semaphore_mem>>)
      %mul3A_470 = arith.constant 2 : i32
      %mul3A_471 = arith.muli %scan3A_290, %mul3A_470 : i32
      %add3A_472 = arith.constant 1 : i32
      %add3A_473 = arith.addi %add3A_472, %mul3A_471 : i32
      %add3A_474 = arith.constant 1 : i32
      %add3A_475 = arith.addi %add3A_473, %add3A_474 : i32
      %mul3A_476 = arith.constant 4 : i32
      %mul3A_477 = arith.muli %add3A_475, %mul3A_476 : i32
      %add3A_478 = arith.constant 0 : i32
      %add3A_479 = arith.addi %mul3A_477, %add3A_478 : i32
      %dma_wait3A_480 = arith.constant 0 : i32
      %dma_wait3A_481 = arith.constant 0 : i32
      %dma_wait3A_482 = arith.constant 0 : i32
      %dma_wait3A_483 = arith.constant 0 : i32
      %dma_wait3A_484 = tpu.memref_slice %arg6[%dma_wait3A_480, %dma_wait3A_481, %dma_wait3A_482, %dma_wait3A_483] : memref<2x4x50x128xf32, #tpu.memory_space<vmem>> -> memref<1x1x50x128xf32, #tpu.memory_space<vmem>>
      %dma_wait3A_485 = tpu.memref_squeeze %dma_wait3A_484 : memref<1x1x50x128xf32, #tpu.memory_space<vmem>> -> memref<50x128xf32, #tpu.memory_space<vmem>>
      %dma_wait3A_486 = arith.constant 0 : i32
      %dma_wait3A_487 = tpu.memref_slice %arg5[%add3A_479, %dma_wait3A_486] : memref<128x50xi32, #tpu.memory_space<vmem>> -> memref<1x50xi32, #tpu.memory_space<vmem>>
      %dma_wait3A_488 = tpu.memref_squeeze %dma_wait3A_487 : memref<1x50xi32, #tpu.memory_space<vmem>> -> memref<50xi32, #tpu.memory_space<vmem>>
      %dma_wait3A_489 = arith.constant 0 : i32
      %dma_wait3A_490 = arith.constant 0 : i32
      %dma_wait3A_491 = tpu.memref_slice %arg3[%dma_wait3A_489, %dma_wait3A_490] : memref<100000x128xf32, #tpu.memory_space<hbm>> -> memref<100000x128xf32, #tpu.memory_space<hbm>>
      tpu.wait_indirect_dma semaphore(%arg7 : memref<!tpu.dma_semaphore, #tpu.memory_space<semaphore_mem>>) src(%dma_wait3A_491 : memref<100000x128xf32, #tpu.memory_space<hbm>>) dst(%dma_wait3A_485 : memref<50x128xf32, #tpu.memory_space<vmem>>)
      %mul3A_492 = arith.constant 4 : i32
      %mul3A_493 = arith.muli %add3A_475, %mul3A_492 : i32
      %add3A_494 = arith.constant 1 : i32
      %add3A_495 = arith.addi %mul3A_493, %add3A_494 : i32
      %dma_wait3A_496 = arith.constant 0 : i32
      %dma_wait3A_497 = arith.constant 1 : i32
      %dma_wait3A_498 = arith.constant 0 : i32
      %dma_wait3A_499 = arith.constant 0 : i32
      %dma_wait3A_500 = tpu.memref_slice %arg6[%dma_wait3A_496, %dma_wait3A_497, %dma_wait3A_498, %dma_wait3A_499] : memref<2x4x50x128xf32, #tpu.memory_space<vmem>> -> memref<1x1x50x128xf32, #tpu.memory_space<vmem>>
      %dma_wait3A_501 = tpu.memref_squeeze %dma_wait3A_500 : memref<1x1x50x128xf32, #tpu.memory_space<vmem>> -> memref<50x128xf32, #tpu.memory_space<vmem>>
      %dma_wait3A_502 = arith.constant 0 : i32
      %dma_wait3A_503 = tpu.memref_slice %arg5[%add3A_495, %dma_wait3A_502] : memref<128x50xi32, #tpu.memory_space<vmem>> -> memref<1x50xi32, #tpu.memory_space<vmem>>
      %dma_wait3A_504 = tpu.memref_squeeze %dma_wait3A_503 : memref<1x50xi32, #tpu.memory_space<vmem>> -> memref<50xi32, #tpu.memory_space<vmem>>
      %dma_wait3A_505 = arith.constant 0 : i32
      %dma_wait3A_506 = arith.constant 0 : i32
      %dma_wait3A_507 = tpu.memref_slice %arg3[%dma_wait3A_505, %dma_wait3A_506] : memref<100000x128xf32, #tpu.memory_space<hbm>> -> memref<100000x128xf32, #tpu.memory_space<hbm>>
      tpu.wait_indirect_dma semaphore(%arg7 : memref<!tpu.dma_semaphore, #tpu.memory_space<semaphore_mem>>) src(%dma_wait3A_507 : memref<100000x128xf32, #tpu.memory_space<hbm>>) dst(%dma_wait3A_501 : memref<50x128xf32, #tpu.memory_space<vmem>>)
      %mul3A_508 = arith.constant 4 : i32
      %mul3A_509 = arith.muli %add3A_475, %mul3A_508 : i32
      %add3A_510 = arith.constant 2 : i32
      %add3A_511 = arith.addi %mul3A_509, %add3A_510 : i32
      %dma_wait3A_512 = arith.constant 0 : i32
      %dma_wait3A_513 = arith.constant 2 : i32
      %dma_wait3A_514 = arith.constant 0 : i32
      %dma_wait3A_515 = arith.constant 0 : i32
      %dma_wait3A_516 = tpu.memref_slice %arg6[%dma_wait3A_512, %dma_wait3A_513, %dma_wait3A_514, %dma_wait3A_515] : memref<2x4x50x128xf32, #tpu.memory_space<vmem>> -> memref<1x1x50x128xf32, #tpu.memory_space<vmem>>
      %dma_wait3A_517 = tpu.memref_squeeze %dma_wait3A_516 : memref<1x1x50x128xf32, #tpu.memory_space<vmem>> -> memref<50x128xf32, #tpu.memory_space<vmem>>
      %dma_wait3A_518 = arith.constant 0 : i32
      %dma_wait3A_519 = tpu.memref_slice %arg5[%add3A_511, %dma_wait3A_518] : memref<128x50xi32, #tpu.memory_space<vmem>> -> memref<1x50xi32, #tpu.memory_space<vmem>>
      %dma_wait3A_520 = tpu.memref_squeeze %dma_wait3A_519 : memref<1x50xi32, #tpu.memory_space<vmem>> -> memref<50xi32, #tpu.memory_space<vmem>>
      %dma_wait3A_521 = arith.constant 0 : i32
      %dma_wait3A_522 = arith.constant 0 : i32
      %dma_wait3A_523 = tpu.memref_slice %arg3[%dma_wait3A_521, %dma_wait3A_522] : memref<100000x128xf32, #tpu.memory_space<hbm>> -> memref<100000x128xf32, #tpu.memory_space<hbm>>
      tpu.wait_indirect_dma semaphore(%arg7 : memref<!tpu.dma_semaphore, #tpu.memory_space<semaphore_mem>>) src(%dma_wait3A_523 : memref<100000x128xf32, #tpu.memory_space<hbm>>) dst(%dma_wait3A_517 : memref<50x128xf32, #tpu.memory_space<vmem>>)
      %mul3A_524 = arith.constant 4 : i32
      %mul3A_525 = arith.muli %add3A_475, %mul3A_524 : i32
      %add3A_526 = arith.constant 3 : i32
      %add3A_527 = arith.addi %mul3A_525, %add3A_526 : i32
      %dma_wait3A_528 = arith.constant 0 : i32
      %dma_wait3A_529 = arith.constant 3 : i32
      %dma_wait3A_530 = arith.constant 0 : i32
      %dma_wait3A_531 = arith.constant 0 : i32
      %dma_wait3A_532 = tpu.memref_slice %arg6[%dma_wait3A_528, %dma_wait3A_529, %dma_wait3A_530, %dma_wait3A_531] : memref<2x4x50x128xf32, #tpu.memory_space<vmem>> -> memref<1x1x50x128xf32, #tpu.memory_space<vmem>>
      %dma_wait3A_533 = tpu.memref_squeeze %dma_wait3A_532 : memref<1x1x50x128xf32, #tpu.memory_space<vmem>> -> memref<50x128xf32, #tpu.memory_space<vmem>>
      %dma_wait3A_534 = arith.constant 0 : i32
      %dma_wait3A_535 = tpu.memref_slice %arg5[%add3A_527, %dma_wait3A_534] : memref<128x50xi32, #tpu.memory_space<vmem>> -> memref<1x50xi32, #tpu.memory_space<vmem>>
      %dma_wait3A_536 = tpu.memref_squeeze %dma_wait3A_535 : memref<1x50xi32, #tpu.memory_space<vmem>> -> memref<50xi32, #tpu.memory_space<vmem>>
      %dma_wait3A_537 = arith.constant 0 : i32
      %dma_wait3A_538 = arith.constant 0 : i32
      %dma_wait3A_539 = tpu.memref_slice %arg3[%dma_wait3A_537, %dma_wait3A_538] : memref<100000x128xf32, #tpu.memory_space<hbm>> -> memref<100000x128xf32, #tpu.memory_space<hbm>>
      tpu.wait_indirect_dma semaphore(%arg7 : memref<!tpu.dma_semaphore, #tpu.memory_space<semaphore_mem>>) src(%dma_wait3A_539 : memref<100000x128xf32, #tpu.memory_space<hbm>>) dst(%dma_wait3A_533 : memref<50x128xf32, #tpu.memory_space<vmem>>)
      %mul3A_540 = arith.constant 4 : i32
      %mul3A_541 = arith.muli %add3A_475, %mul3A_540 : i32
      %add3A_542 = arith.addi %mul3A_2, %mul3A_541 : i32
      %dma_start3A_543 = arith.constant 0 : i32
      %dma_start3A_544 = arith.constant 0 : i32
      %dma_start3A_545 = arith.constant 0 : i32
      %dma_start3A_546 = arith.constant 0 : i32
      %dma_start3A_547 = tpu.memref_slice %arg6[%dma_start3A_543, %dma_start3A_544, %dma_start3A_545, %dma_start3A_546] : memref<2x4x50x128xf32, #tpu.memory_space<vmem>> -> memref<1x4x50x128xf32, #tpu.memory_space<vmem>>
      %dma_start3A_548 = tpu.memref_squeeze %dma_start3A_547 : memref<1x4x50x128xf32, #tpu.memory_space<vmem>> -> memref<4x50x128xf32, #tpu.memory_space<vmem>>
      %dma_start3A_549 = arith.constant 0 : i32
      %dma_start3A_550 = arith.constant 0 : i32
      %dma_start3A_551 = tpu.memref_slice %arg4[%add3A_542, %dma_start3A_549, %dma_start3A_550] : memref<4096x50x128xf32, #tpu.memory_space<hbm>> -> memref<4x50x128xf32, #tpu.memory_space<hbm>>
      %dma_start3A_552 = arith.constant 0 : i32
      %dma_start3A_553 = arith.constant 0 : i32
      %dma_start3A_554 = tpu.memref_slice %arg4[%add3A_542, %dma_start3A_552, %dma_start3A_553] : memref<4096x50x128xf32, #tpu.memory_space<hbm>> -> memref<4x50x128xf32, #tpu.memory_space<hbm>>
      %dma_start3A_555 = arith.constant 0 : i32
      %dma_start3A_556 = arith.constant 0 : i32
      %dma_start3A_557 = arith.constant 0 : i32
      %dma_start3A_558 = tpu.memref_slice %arg6[%dma_start3A_543, %dma_start3A_555, %dma_start3A_556, %dma_start3A_557] : memref<2x4x50x128xf32, #tpu.memory_space<vmem>> -> memref<1x4x50x128xf32, #tpu.memory_space<vmem>>
      %dma_start3A_559 = tpu.memref_squeeze %dma_start3A_558 : memref<1x4x50x128xf32, #tpu.memory_space<vmem>> -> memref<4x50x128xf32, #tpu.memory_space<vmem>>
      tpu.enqueue_dma source(%dma_start3A_559 : memref<4x50x128xf32, #tpu.memory_space<vmem>>) target(%dma_start3A_554 : memref<4x50x128xf32, #tpu.memory_space<hbm>>) target_semaphore(%arg8 : memref<!tpu.dma_semaphore, #tpu.memory_space<semaphore_mem>>)
      %sub3A_560 = arith.constant 1 : i32
      %sub3A_561 = arith.subi %add3A_475, %sub3A_560 : i32
      %mul3A_562 = arith.constant 4 : i32
      %mul3A_563 = arith.muli %sub3A_561, %mul3A_562 : i32
      %add3A_564 = arith.addi %mul3A_2, %mul3A_563 : i32
      %dma_wait3A_565 = arith.constant 1 : i32
      %dma_wait3A_566 = arith.constant 0 : i32
      %dma_wait3A_567 = arith.constant 0 : i32
      %dma_wait3A_568 = arith.constant 0 : i32
      %dma_wait3A_569 = tpu.memref_slice %arg6[%dma_wait3A_565, %dma_wait3A_566, %dma_wait3A_567, %dma_wait3A_568] : memref<2x4x50x128xf32, #tpu.memory_space<vmem>> -> memref<1x4x50x128xf32, #tpu.memory_space<vmem>>
      %dma_wait3A_570 = tpu.memref_squeeze %dma_wait3A_569 : memref<1x4x50x128xf32, #tpu.memory_space<vmem>> -> memref<4x50x128xf32, #tpu.memory_space<vmem>>
      %dma_wait3A_571 = arith.constant 0 : i32
      %dma_wait3A_572 = arith.constant 0 : i32
      %dma_wait3A_573 = tpu.memref_slice %arg4[%add3A_564, %dma_wait3A_571, %dma_wait3A_572] : memref<4096x50x128xf32, #tpu.memory_space<hbm>> -> memref<4x50x128xf32, #tpu.memory_space<hbm>>
      %dma_wait3A_574 = arith.constant 0 : i32
      %dma_wait3A_575 = arith.constant 0 : i32
      %dma_wait3A_576 = tpu.memref_slice %arg4[%add3A_564, %dma_wait3A_574, %dma_wait3A_575] : memref<4096x50x128xf32, #tpu.memory_space<hbm>> -> memref<4x50x128xf32, #tpu.memory_space<hbm>>
      %dma_wait3A_577 = arith.constant 0 : i32
      %dma_wait3A_578 = arith.constant 0 : i32
      %dma_wait3A_579 = arith.constant 0 : i32
      %dma_wait3A_580 = tpu.memref_slice %arg6[%dma_wait3A_565, %dma_wait3A_577, %dma_wait3A_578, %dma_wait3A_579] : memref<2x4x50x128xf32, #tpu.memory_space<vmem>> -> memref<1x4x50x128xf32, #tpu.memory_space<vmem>>
      %dma_wait3A_581 = tpu.memref_squeeze %dma_wait3A_580 : memref<1x4x50x128xf32, #tpu.memory_space<vmem>> -> memref<4x50x128xf32, #tpu.memory_space<vmem>>
      tpu.wait_dma2 semaphore(%arg8 : memref<!tpu.dma_semaphore, #tpu.memory_space<semaphore_mem>>) src(%dma_wait3A_581 : memref<4x50x128xf32, #tpu.memory_space<vmem>>) dst(%dma_wait3A_576 : memref<4x50x128xf32, #tpu.memory_space<hbm>>)
      %sub3A_582 = arith.constant 1 : i32
      %sub3A_583 = arith.subi %add3A_475, %sub3A_582 : i32
      %add3A_584 = arith.constant 2 : i32
      %add3A_585 = arith.addi %sub3A_583, %add3A_584 : i32
      %mul3A_586 = arith.constant 4 : i32
      %mul3A_587 = arith.muli %add3A_585, %mul3A_586 : i32
      %add3A_588 = arith.constant 0 : i32
      %add3A_589 = arith.addi %mul3A_587, %add3A_588 : i32
      %dma_start3A_590 = arith.constant 1 : i32
      %dma_start3A_591 = arith.constant 0 : i32
      %dma_start3A_592 = arith.constant 0 : i32
      %dma_start3A_593 = arith.constant 0 : i32
      %dma_start3A_594 = tpu.memref_slice %arg6[%dma_start3A_590, %dma_start3A_591, %dma_start3A_592, %dma_start3A_593] : memref<2x4x50x128xf32, #tpu.memory_space<vmem>> -> memref<1x1x50x128xf32, #tpu.memory_space<vmem>>
      %dma_start3A_595 = tpu.memref_squeeze %dma_start3A_594 : memref<1x1x50x128xf32, #tpu.memory_space<vmem>> -> memref<50x128xf32, #tpu.memory_space<vmem>>
      %dma_start3A_596 = arith.constant 0 : i32
      %dma_start3A_597 = tpu.memref_slice %arg5[%add3A_589, %dma_start3A_596] : memref<128x50xi32, #tpu.memory_space<vmem>> -> memref<1x50xi32, #tpu.memory_space<vmem>>
      %dma_start3A_598 = tpu.memref_squeeze %dma_start3A_597 : memref<1x50xi32, #tpu.memory_space<vmem>> -> memref<50xi32, #tpu.memory_space<vmem>>
      %dma_start3A_599 = arith.constant 0 : i32
      %dma_start3A_600 = arith.constant 0 : i32
      %dma_start3A_601 = tpu.memref_slice %arg3[%dma_start3A_599, %dma_start3A_600] : memref<100000x128xf32, #tpu.memory_space<hbm>> -> memref<100000x128xf32, #tpu.memory_space<hbm>>
      tpu.enqueue_indirect_dma source(%dma_start3A_601 : memref<100000x128xf32, #tpu.memory_space<hbm>>) target(%dma_start3A_595 : memref<50x128xf32, #tpu.memory_space<vmem>>) offsets(%dma_start3A_598 : memref<50xi32, #tpu.memory_space<vmem>>) semaphore(%arg7 : memref<!tpu.dma_semaphore, #tpu.memory_space<semaphore_mem>>)
      %mul3A_602 = arith.constant 4 : i32
      %mul3A_603 = arith.muli %add3A_585, %mul3A_602 : i32
      %add3A_604 = arith.constant 1 : i32
      %add3A_605 = arith.addi %mul3A_603, %add3A_604 : i32
      %dma_start3A_606 = arith.constant 1 : i32
      %dma_start3A_607 = arith.constant 1 : i32
      %dma_start3A_608 = arith.constant 0 : i32
      %dma_start3A_609 = arith.constant 0 : i32
      %dma_start3A_610 = tpu.memref_slice %arg6[%dma_start3A_606, %dma_start3A_607, %dma_start3A_608, %dma_start3A_609] : memref<2x4x50x128xf32, #tpu.memory_space<vmem>> -> memref<1x1x50x128xf32, #tpu.memory_space<vmem>>
      %dma_start3A_611 = tpu.memref_squeeze %dma_start3A_610 : memref<1x1x50x128xf32, #tpu.memory_space<vmem>> -> memref<50x128xf32, #tpu.memory_space<vmem>>
      %dma_start3A_612 = arith.constant 0 : i32
      %dma_start3A_613 = tpu.memref_slice %arg5[%add3A_605, %dma_start3A_612] : memref<128x50xi32, #tpu.memory_space<vmem>> -> memref<1x50xi32, #tpu.memory_space<vmem>>
      %dma_start3A_614 = tpu.memref_squeeze %dma_start3A_613 : memref<1x50xi32, #tpu.memory_space<vmem>> -> memref<50xi32, #tpu.memory_space<vmem>>
      %dma_start3A_615 = arith.constant 0 : i32
      %dma_start3A_616 = arith.constant 0 : i32
      %dma_start3A_617 = tpu.memref_slice %arg3[%dma_start3A_615, %dma_start3A_616] : memref<100000x128xf32, #tpu.memory_space<hbm>> -> memref<100000x128xf32, #tpu.memory_space<hbm>>
      tpu.enqueue_indirect_dma source(%dma_start3A_617 : memref<100000x128xf32, #tpu.memory_space<hbm>>) target(%dma_start3A_611 : memref<50x128xf32, #tpu.memory_space<vmem>>) offsets(%dma_start3A_614 : memref<50xi32, #tpu.memory_space<vmem>>) semaphore(%arg7 : memref<!tpu.dma_semaphore, #tpu.memory_space<semaphore_mem>>)
      %mul3A_618 = arith.constant 4 : i32
      %mul3A_619 = arith.muli %add3A_585, %mul3A_618 : i32
      %add3A_620 = arith.constant 2 : i32
      %add3A_621 = arith.addi %mul3A_619, %add3A_620 : i32
      %dma_start3A_622 = arith.constant 1 : i32
      %dma_start3A_623 = arith.constant 2 : i32
      %dma_start3A_624 = arith.constant 0 : i32
      %dma_start3A_625 = arith.constant 0 : i32
      %dma_start3A_626 = tpu.memref_slice %arg6[%dma_start3A_622, %dma_start3A_623, %dma_start3A_624, %dma_start3A_625] : memref<2x4x50x128xf32, #tpu.memory_space<vmem>> -> memref<1x1x50x128xf32, #tpu.memory_space<vmem>>
      %dma_start3A_627 = tpu.memref_squeeze %dma_start3A_626 : memref<1x1x50x128xf32, #tpu.memory_space<vmem>> -> memref<50x128xf32, #tpu.memory_space<vmem>>
      %dma_start3A_628 = arith.constant 0 : i32
      %dma_start3A_629 = tpu.memref_slice %arg5[%add3A_621, %dma_start3A_628] : memref<128x50xi32, #tpu.memory_space<vmem>> -> memref<1x50xi32, #tpu.memory_space<vmem>>
      %dma_start3A_630 = tpu.memref_squeeze %dma_start3A_629 : memref<1x50xi32, #tpu.memory_space<vmem>> -> memref<50xi32, #tpu.memory_space<vmem>>
      %dma_start3A_631 = arith.constant 0 : i32
      %dma_start3A_632 = arith.constant 0 : i32
      %dma_start3A_633 = tpu.memref_slice %arg3[%dma_start3A_631, %dma_start3A_632] : memref<100000x128xf32, #tpu.memory_space<hbm>> -> memref<100000x128xf32, #tpu.memory_space<hbm>>
      tpu.enqueue_indirect_dma source(%dma_start3A_633 : memref<100000x128xf32, #tpu.memory_space<hbm>>) target(%dma_start3A_627 : memref<50x128xf32, #tpu.memory_space<vmem>>) offsets(%dma_start3A_630 : memref<50xi32, #tpu.memory_space<vmem>>) semaphore(%arg7 : memref<!tpu.dma_semaphore, #tpu.memory_space<semaphore_mem>>)
      %mul3A_634 = arith.constant 4 : i32
      %mul3A_635 = arith.muli %add3A_585, %mul3A_634 : i32
      %add3A_636 = arith.constant 3 : i32
      %add3A_637 = arith.addi %mul3A_635, %add3A_636 : i32
      %dma_start3A_638 = arith.constant 1 : i32
      %dma_start3A_639 = arith.constant 3 : i32
      %dma_start3A_640 = arith.constant 0 : i32
      %dma_start3A_641 = arith.constant 0 : i32
      %dma_start3A_642 = tpu.memref_slice %arg6[%dma_start3A_638, %dma_start3A_639, %dma_start3A_640, %dma_start3A_641] : memref<2x4x50x128xf32, #tpu.memory_space<vmem>> -> memref<1x1x50x128xf32, #tpu.memory_space<vmem>>
      %dma_start3A_643 = tpu.memref_squeeze %dma_start3A_642 : memref<1x1x50x128xf32, #tpu.memory_space<vmem>> -> memref<50x128xf32, #tpu.memory_space<vmem>>
      %dma_start3A_644 = arith.constant 0 : i32
      %dma_start3A_645 = tpu.memref_slice %arg5[%add3A_637, %dma_start3A_644] : memref<128x50xi32, #tpu.memory_space<vmem>> -> memref<1x50xi32, #tpu.memory_space<vmem>>
      %dma_start3A_646 = tpu.memref_squeeze %dma_start3A_645 : memref<1x50xi32, #tpu.memory_space<vmem>> -> memref<50xi32, #tpu.memory_space<vmem>>
      %dma_start3A_647 = arith.constant 0 : i32
      %dma_start3A_648 = arith.constant 0 : i32
      %dma_start3A_649 = tpu.memref_slice %arg3[%dma_start3A_647, %dma_start3A_648] : memref<100000x128xf32, #tpu.memory_space<hbm>> -> memref<100000x128xf32, #tpu.memory_space<hbm>>
      tpu.enqueue_indirect_dma source(%dma_start3A_649 : memref<100000x128xf32, #tpu.memory_space<hbm>>) target(%dma_start3A_643 : memref<50x128xf32, #tpu.memory_space<vmem>>) offsets(%dma_start3A_646 : memref<50xi32, #tpu.memory_space<vmem>>) semaphore(%arg7 : memref<!tpu.dma_semaphore, #tpu.memory_space<semaphore_mem>>)
    }
    %scan3A_180 = arith.constant 15 : i32
    %dma_wait3A_181 = arith.constant 124 : i32
    %dma_wait3A_182 = arith.constant 1 : i32
    %dma_wait3A_183 = arith.constant 0 : i32
    %dma_wait3A_184 = arith.constant 0 : i32
    %dma_wait3A_185 = arith.constant 0 : i32
    %dma_wait3A_186 = tpu.memref_slice %arg6[%dma_wait3A_182, %dma_wait3A_183, %dma_wait3A_184, %dma_wait3A_185] : memref<2x4x50x128xf32, #tpu.memory_space<vmem>> -> memref<1x1x50x128xf32, #tpu.memory_space<vmem>>
    %dma_wait3A_187 = tpu.memref_squeeze %dma_wait3A_186 : memref<1x1x50x128xf32, #tpu.memory_space<vmem>> -> memref<50x128xf32, #tpu.memory_space<vmem>>
    %dma_wait3A_188 = arith.constant 0 : i32
    %dma_wait3A_189 = tpu.memref_slice %arg5[%dma_wait3A_181, %dma_wait3A_188] : memref<128x50xi32, #tpu.memory_space<vmem>> -> memref<1x50xi32, #tpu.memory_space<vmem>>
    %dma_wait3A_190 = tpu.memref_squeeze %dma_wait3A_189 : memref<1x50xi32, #tpu.memory_space<vmem>> -> memref<50xi32, #tpu.memory_space<vmem>>
    %dma_wait3A_191 = arith.constant 0 : i32
    %dma_wait3A_192 = arith.constant 0 : i32
    %dma_wait3A_193 = tpu.memref_slice %arg3[%dma_wait3A_191, %dma_wait3A_192] : memref<100000x128xf32, #tpu.memory_space<hbm>> -> memref<100000x128xf32, #tpu.memory_space<hbm>>
    tpu.wait_indirect_dma semaphore(%arg7 : memref<!tpu.dma_semaphore, #tpu.memory_space<semaphore_mem>>) src(%dma_wait3A_193 : memref<100000x128xf32, #tpu.memory_space<hbm>>) dst(%dma_wait3A_187 : memref<50x128xf32, #tpu.memory_space<vmem>>)
    %dma_wait3A_194 = arith.constant 125 : i32
    %dma_wait3A_195 = arith.constant 1 : i32
    %dma_wait3A_196 = arith.constant 1 : i32
    %dma_wait3A_197 = arith.constant 0 : i32
    %dma_wait3A_198 = arith.constant 0 : i32
    %dma_wait3A_199 = tpu.memref_slice %arg6[%dma_wait3A_195, %dma_wait3A_196, %dma_wait3A_197, %dma_wait3A_198] : memref<2x4x50x128xf32, #tpu.memory_space<vmem>> -> memref<1x1x50x128xf32, #tpu.memory_space<vmem>>
    %dma_wait3A_200 = tpu.memref_squeeze %dma_wait3A_199 : memref<1x1x50x128xf32, #tpu.memory_space<vmem>> -> memref<50x128xf32, #tpu.memory_space<vmem>>
    %dma_wait3A_201 = arith.constant 0 : i32
    %dma_wait3A_202 = tpu.memref_slice %arg5[%dma_wait3A_194, %dma_wait3A_201] : memref<128x50xi32, #tpu.memory_space<vmem>> -> memref<1x50xi32, #tpu.memory_space<vmem>>
    %dma_wait3A_203 = tpu.memref_squeeze %dma_wait3A_202 : memref<1x50xi32, #tpu.memory_space<vmem>> -> memref<50xi32, #tpu.memory_space<vmem>>
    %dma_wait3A_204 = arith.constant 0 : i32
    %dma_wait3A_205 = arith.constant 0 : i32
    %dma_wait3A_206 = tpu.memref_slice %arg3[%dma_wait3A_204, %dma_wait3A_205] : memref<100000x128xf32, #tpu.memory_space<hbm>> -> memref<100000x128xf32, #tpu.memory_space<hbm>>
    tpu.wait_indirect_dma semaphore(%arg7 : memref<!tpu.dma_semaphore, #tpu.memory_space<semaphore_mem>>) src(%dma_wait3A_206 : memref<100000x128xf32, #tpu.memory_space<hbm>>) dst(%dma_wait3A_200 : memref<50x128xf32, #tpu.memory_space<vmem>>)
    %dma_wait3A_207 = arith.constant 126 : i32
    %dma_wait3A_208 = arith.constant 1 : i32
    %dma_wait3A_209 = arith.constant 2 : i32
    %dma_wait3A_210 = arith.constant 0 : i32
    %dma_wait3A_211 = arith.constant 0 : i32
    %dma_wait3A_212 = tpu.memref_slice %arg6[%dma_wait3A_208, %dma_wait3A_209, %dma_wait3A_210, %dma_wait3A_211] : memref<2x4x50x128xf32, #tpu.memory_space<vmem>> -> memref<1x1x50x128xf32, #tpu.memory_space<vmem>>
    %dma_wait3A_213 = tpu.memref_squeeze %dma_wait3A_212 : memref<1x1x50x128xf32, #tpu.memory_space<vmem>> -> memref<50x128xf32, #tpu.memory_space<vmem>>
    %dma_wait3A_214 = arith.constant 0 : i32
    %dma_wait3A_215 = tpu.memref_slice %arg5[%dma_wait3A_207, %dma_wait3A_214] : memref<128x50xi32, #tpu.memory_space<vmem>> -> memref<1x50xi32, #tpu.memory_space<vmem>>
    %dma_wait3A_216 = tpu.memref_squeeze %dma_wait3A_215 : memref<1x50xi32, #tpu.memory_space<vmem>> -> memref<50xi32, #tpu.memory_space<vmem>>
    %dma_wait3A_217 = arith.constant 0 : i32
    %dma_wait3A_218 = arith.constant 0 : i32
    %dma_wait3A_219 = tpu.memref_slice %arg3[%dma_wait3A_217, %dma_wait3A_218] : memref<100000x128xf32, #tpu.memory_space<hbm>> -> memref<100000x128xf32, #tpu.memory_space<hbm>>
    tpu.wait_indirect_dma semaphore(%arg7 : memref<!tpu.dma_semaphore, #tpu.memory_space<semaphore_mem>>) src(%dma_wait3A_219 : memref<100000x128xf32, #tpu.memory_space<hbm>>) dst(%dma_wait3A_213 : memref<50x128xf32, #tpu.memory_space<vmem>>)
    %dma_wait3A_220 = arith.constant 127 : i32
    %dma_wait3A_221 = arith.constant 1 : i32
    %dma_wait3A_222 = arith.constant 3 : i32
    %dma_wait3A_223 = arith.constant 0 : i32
    %dma_wait3A_224 = arith.constant 0 : i32
    %dma_wait3A_225 = tpu.memref_slice %arg6[%dma_wait3A_221, %dma_wait3A_222, %dma_wait3A_223, %dma_wait3A_224] : memref<2x4x50x128xf32, #tpu.memory_space<vmem>> -> memref<1x1x50x128xf32, #tpu.memory_space<vmem>>
    %dma_wait3A_226 = tpu.memref_squeeze %dma_wait3A_225 : memref<1x1x50x128xf32, #tpu.memory_space<vmem>> -> memref<50x128xf32, #tpu.memory_space<vmem>>
    %dma_wait3A_227 = arith.constant 0 : i32
    %dma_wait3A_228 = tpu.memref_slice %arg5[%dma_wait3A_220, %dma_wait3A_227] : memref<128x50xi32, #tpu.memory_space<vmem>> -> memref<1x50xi32, #tpu.memory_space<vmem>>
    %dma_wait3A_229 = tpu.memref_squeeze %dma_wait3A_228 : memref<1x50xi32, #tpu.memory_space<vmem>> -> memref<50xi32, #tpu.memory_space<vmem>>
    %dma_wait3A_230 = arith.constant 0 : i32
    %dma_wait3A_231 = arith.constant 0 : i32
    %dma_wait3A_232 = tpu.memref_slice %arg3[%dma_wait3A_230, %dma_wait3A_231] : memref<100000x128xf32, #tpu.memory_space<hbm>> -> memref<100000x128xf32, #tpu.memory_space<hbm>>
    tpu.wait_indirect_dma semaphore(%arg7 : memref<!tpu.dma_semaphore, #tpu.memory_space<semaphore_mem>>) src(%dma_wait3A_232 : memref<100000x128xf32, #tpu.memory_space<hbm>>) dst(%dma_wait3A_226 : memref<50x128xf32, #tpu.memory_space<vmem>>)
    %add3A_233 = arith.constant 124 : i32
    %add3A_234 = arith.addi %mul3A_2, %add3A_233 : i32
    %dma_start3A_235 = arith.constant 1 : i32
    %dma_start3A_236 = arith.constant 0 : i32
    %dma_start3A_237 = arith.constant 0 : i32
    %dma_start3A_238 = arith.constant 0 : i32
    %dma_start3A_239 = tpu.memref_slice %arg6[%dma_start3A_235, %dma_start3A_236, %dma_start3A_237, %dma_start3A_238] : memref<2x4x50x128xf32, #tpu.memory_space<vmem>> -> memref<1x4x50x128xf32, #tpu.memory_space<vmem>>
    %dma_start3A_240 = tpu.memref_squeeze %dma_start3A_239 : memref<1x4x50x128xf32, #tpu.memory_space<vmem>> -> memref<4x50x128xf32, #tpu.memory_space<vmem>>
    %dma_start3A_241 = arith.constant 0 : i32
    %dma_start3A_242 = arith.constant 0 : i32
    %dma_start3A_243 = tpu.memref_slice %arg4[%add3A_234, %dma_start3A_241, %dma_start3A_242] : memref<4096x50x128xf32, #tpu.memory_space<hbm>> -> memref<4x50x128xf32, #tpu.memory_space<hbm>>
    %dma_start3A_244 = arith.constant 0 : i32
    %dma_start3A_245 = arith.constant 0 : i32
    %dma_start3A_246 = tpu.memref_slice %arg4[%add3A_234, %dma_start3A_244, %dma_start3A_245] : memref<4096x50x128xf32, #tpu.memory_space<hbm>> -> memref<4x50x128xf32, #tpu.memory_space<hbm>>
    %dma_start3A_247 = arith.constant 0 : i32
    %dma_start3A_248 = arith.constant 0 : i32
    %dma_start3A_249 = arith.constant 0 : i32
    %dma_start3A_250 = tpu.memref_slice %arg6[%dma_start3A_235, %dma_start3A_247, %dma_start3A_248, %dma_start3A_249] : memref<2x4x50x128xf32, #tpu.memory_space<vmem>> -> memref<1x4x50x128xf32, #tpu.memory_space<vmem>>
    %dma_start3A_251 = tpu.memref_squeeze %dma_start3A_250 : memref<1x4x50x128xf32, #tpu.memory_space<vmem>> -> memref<4x50x128xf32, #tpu.memory_space<vmem>>
    tpu.enqueue_dma source(%dma_start3A_251 : memref<4x50x128xf32, #tpu.memory_space<vmem>>) target(%dma_start3A_246 : memref<4x50x128xf32, #tpu.memory_space<hbm>>) target_semaphore(%arg8 : memref<!tpu.dma_semaphore, #tpu.memory_space<semaphore_mem>>)
    %add3A_252 = arith.constant 120 : i32
    %add3A_253 = arith.addi %mul3A_2, %add3A_252 : i32
    %dma_wait3A_254 = arith.constant 0 : i32
    %dma_wait3A_255 = arith.constant 0 : i32
    %dma_wait3A_256 = arith.constant 0 : i32
    %dma_wait3A_257 = arith.constant 0 : i32
    %dma_wait3A_258 = tpu.memref_slice %arg6[%dma_wait3A_254, %dma_wait3A_255, %dma_wait3A_256, %dma_wait3A_257] : memref<2x4x50x128xf32, #tpu.memory_space<vmem>> -> memref<1x4x50x128xf32, #tpu.memory_space<vmem>>
    %dma_wait3A_259 = tpu.memref_squeeze %dma_wait3A_258 : memref<1x4x50x128xf32, #tpu.memory_space<vmem>> -> memref<4x50x128xf32, #tpu.memory_space<vmem>>
    %dma_wait3A_260 = arith.constant 0 : i32
    %dma_wait3A_261 = arith.constant 0 : i32
    %dma_wait3A_262 = tpu.memref_slice %arg4[%add3A_253, %dma_wait3A_260, %dma_wait3A_261] : memref<4096x50x128xf32, #tpu.memory_space<hbm>> -> memref<4x50x128xf32, #tpu.memory_space<hbm>>
    %dma_wait3A_263 = arith.constant 0 : i32
    %dma_wait3A_264 = arith.constant 0 : i32
    %dma_wait3A_265 = tpu.memref_slice %arg4[%add3A_253, %dma_wait3A_263, %dma_wait3A_264] : memref<4096x50x128xf32, #tpu.memory_space<hbm>> -> memref<4x50x128xf32, #tpu.memory_space<hbm>>
    %dma_wait3A_266 = arith.constant 0 : i32
    %dma_wait3A_267 = arith.constant 0 : i32
    %dma_wait3A_268 = arith.constant 0 : i32
    %dma_wait3A_269 = tpu.memref_slice %arg6[%dma_wait3A_254, %dma_wait3A_266, %dma_wait3A_267, %dma_wait3A_268] : memref<2x4x50x128xf32, #tpu.memory_space<vmem>> -> memref<1x4x50x128xf32, #tpu.memory_space<vmem>>
    %dma_wait3A_270 = tpu.memref_squeeze %dma_wait3A_269 : memref<1x4x50x128xf32, #tpu.memory_space<vmem>> -> memref<4x50x128xf32, #tpu.memory_space<vmem>>
    tpu.wait_dma2 semaphore(%arg8 : memref<!tpu.dma_semaphore, #tpu.memory_space<semaphore_mem>>) src(%dma_wait3A_270 : memref<4x50x128xf32, #tpu.memory_space<vmem>>) dst(%dma_wait3A_265 : memref<4x50x128xf32, #tpu.memory_space<hbm>>)
    %add3A_271 = arith.constant 124 : i32
    %add3A_272 = arith.addi %mul3A_2, %add3A_271 : i32
    %dma_wait3A_273 = arith.constant 1 : i32
    %dma_wait3A_274 = arith.constant 0 : i32
    %dma_wait3A_275 = arith.constant 0 : i32
    %dma_wait3A_276 = arith.constant 0 : i32
    %dma_wait3A_277 = tpu.memref_slice %arg6[%dma_wait3A_273, %dma_wait3A_274, %dma_wait3A_275, %dma_wait3A_276] : memref<2x4x50x128xf32, #tpu.memory_space<vmem>> -> memref<1x4x50x128xf32, #tpu.memory_space<vmem>>
    %dma_wait3A_278 = tpu.memref_squeeze %dma_wait3A_277 : memref<1x4x50x128xf32, #tpu.memory_space<vmem>> -> memref<4x50x128xf32, #tpu.memory_space<vmem>>
    %dma_wait3A_279 = arith.constant 0 : i32
    %dma_wait3A_280 = arith.constant 0 : i32
    %dma_wait3A_281 = tpu.memref_slice %arg4[%add3A_272, %dma_wait3A_279, %dma_wait3A_280] : memref<4096x50x128xf32, #tpu.memory_space<hbm>> -> memref<4x50x128xf32, #tpu.memory_space<hbm>>
    %dma_wait3A_282 = arith.constant 0 : i32
    %dma_wait3A_283 = arith.constant 0 : i32
    %dma_wait3A_284 = tpu.memref_slice %arg4[%add3A_272, %dma_wait3A_282, %dma_wait3A_283] : memref<4096x50x128xf32, #tpu.memory_space<hbm>> -> memref<4x50x128xf32, #tpu.memory_space<hbm>>
    %dma_wait3A_285 = arith.constant 0 : i32
    %dma_wait3A_286 = arith.constant 0 : i32
    %dma_wait3A_287 = arith.constant 0 : i32
    %dma_wait3A_288 = tpu.memref_slice %arg6[%dma_wait3A_273, %dma_wait3A_285, %dma_wait3A_286, %dma_wait3A_287] : memref<2x4x50x128xf32, #tpu.memory_space<vmem>> -> memref<1x4x50x128xf32, #tpu.memory_space<vmem>>
    %dma_wait3A_289 = tpu.memref_squeeze %dma_wait3A_288 : memref<1x4x50x128xf32, #tpu.memory_space<vmem>> -> memref<4x50x128xf32, #tpu.memory_space<vmem>>
    tpu.wait_dma2 semaphore(%arg8 : memref<!tpu.dma_semaphore, #tpu.memory_space<semaphore_mem>>) src(%dma_wait3A_289 : memref<4x50x128xf32, #tpu.memory_space<vmem>>) dst(%dma_wait3A_284 : memref<4x50x128xf32, #tpu.memory_space<hbm>>)
    return
  }
}

</mosaic_0001>

<sc_bundles>
// kernel: kernel.3.cloned.1.call-start
scs
__scs_entry_jumppad:
0x0: {  	(pc) =	sbr.rel $0x88, $3  }
0x1: {  	(tag) =	ssettag $0x0;
	lr =	simm.s32 $0x1  }
0x2: {  	[smem:$0x3F9F] =	sst lr;
	_ =	strace $0xD0000000  }
0x3: {  	_ = 	snop  }
0x4: {  	_ = 	snop  }
0x5: {  	_ = 	snop  }
0x6: {  	_ = 	snop  }
0x7: {  	_ = 	snop  }
__scs_overlays_trampoline_lowered:
0x8: {  	[smem:$0x3FAE] =	sst s0  }
0x9: {  	[smem:$0x3FAF] =	sst s1  }
0xa: {  	[smem:$0x3FB0] =	sst s2  }
0xb: {  	[smem:$0x3FB1] =	sst s3  }
0xc: {  	[smem:$0x3FB2] =	sst s4  }
0xd: {  	[smem:$0x3FB3] =	sst s5  }
0xe: {  	[smem:$0x3FB4] =	sst s6  }
0xf: {  	[smem:$0x3FB5] =	sst s7  }
0x10: {  	[smem:$0x3FB6] =	sst s8  }
0x11: {  	[smem:$0x3FB7] =	sst s9;
	s0 =	simm.s32 @!p0 $0x0  }
0x12: {  	s1 =	sld [smem:$0x3F9D];
	s0 =	simm.s32 @p0 $0x1  }
0x13: {  	[smem:$0x3FB8] =	sst s0;
	s0 =	simm.s32 @!p1 $0x0  }
0x14: {  	s2 =	sld [smem:$0x3F9C];
	s0 =	simm.s32 @p1 $0x1  }
0x15: {  	[smem:$0x3FB9] =	sst s0;
	s0 =	simm.s32 @!p2 $0x0  }
0x16: {  	s3 =	sld [smem:$0x3FDB];
	s0 =	simm.s32 @p2 $0x1  }
0x17: {  	s4 =	simm.s32 $0x1BF5;
	[smem:$0x3FBB] =	sst s0  }
0x18: {  	s0 =	sld [smem:$0x3F9E];
	_ =	swait.ge [sflag:s4], $0x0  }
0x19: {  	s7 =	sld [smem:$0x3F9F]  }
0x1a: {  	s8 =	sadd.s32 $0xFFFFE003, lr  }
0x1b: {  	s9 =	sadd.s32 $0xFFFFFEF7, lr;
	s5 =	simm.s32 $0xFFFFFFFF;
	p2 =	slt.u32 s8, $0xFFFFF086  }
0x1c: {  	p1 =	slt.u32 s9, $0xF7A;
	s5 =	simm.s32 @!p2 $0x0  }
0x1d: {  	s5 =	simm.s32 @p1 $0x1;
	p0 =	seq.s32 s7, s2  }
0x1e: {  	s7 =	smul.u32 @!p0 $0xF7A, s2;
	p2 =	seq.s32 @!p0 s5, $0x0  }
0x1f: {  	s9 =	smul.u32 $0xF7A, s1;
	s8 =	simm.s32 @!p0 $0x1BF5;
	p2 =	por !p2, p0  }
0x20: {  	[sflag:s8] =	ssyncset.s32 @!p0 $0xFFFFF086;
	s6 =	sadd.s32 @!p0 s3, s7;
	s7 =	simm.s32 @!p0 $0x108  }
0x21: {  	s3 =	sadd.s32 s3, s9;
	s6 =	sadd.s32 @!p0 $0x88, s6;
	s7 =	simm.s32 @p2 $0x1082  }
0x22: {  	[simem:s7], [sflag:s8] =	dma.local @!p0 [hbm:s6], $0xF7A  }
0x23: {  	s9 =	sor.u32 $0xD0000000, s2;
	s6 =	simm.s32 $0x108;
	_ =	swait.ge @!p0 [sflag:s8], $0x0  }
0x24: {  	s3 =	sadd.s32 $0x88, s3;
	s6 =	simm.s32 @!p1 $0x1082;
	[sflag:s4] =	ssyncset.s32 $0xFFFFF086  }
0x25: {  	[simem:s6], [sflag:s4] =	dma.local [hbm:s3], $0xF7A  }
0x26: {  	[smem:$0x3F9F] =	sst s1;
	(tag) =	ssettag s2;
	_ =	strace s9  }
0x27: {  	s1 =	sld [smem:$0x3FAF]  }
0x28: {  	s2 =	sld [smem:$0x3FB0]  }
0x29: {  	s4 =	sld [smem:$0x3FB2]  }
0x2a: {  	p0 =	seq.s32 s5, $0x0;
	s5 =	sld [smem:$0x3FB3]  }
0x2b: {  	s6 =	sld [smem:$0x3FB4]  }
0x2c: {  	s7 =	sld [smem:$0x3FB5]  }
0x2d: {  	s3 =	simm.s32 $0x108;
	s8 =	sld [smem:$0x3FB6]  }
0x2e: {  	s3 =	simm.s32 @!p0 $0x1082;
	s9 =	sld [smem:$0x3FB7]  }
0x2f: {  	lr =	sadd.s32 s0, s3;
	s0 =	sld [smem:$0x3FAE]  }
0x30: {  	s3 =	sld [smem:$0x3FB1]  }
0x31: {  	[smem:$0x3FBA] =	sst s10  }
0x32: {  	s10 =	sld [smem:$0x3FB8];
	_ =	sdelay $0x3  }
0x33: {  	p0 =	seq.s32 s10, $0x1;
	s10 =	sld [smem:$0x3FBA];
	_ =	sdelay $0x3  }
0x34: {  	[smem:$0x3FBA] =	sst s10  }
0x35: {  	s10 =	sld [smem:$0x3FB9];
	_ =	sdelay $0x3  }
0x36: {  	p1 =	seq.s32 s10, $0x1;
	s10 =	sld [smem:$0x3FBA];
	_ =	sdelay $0x3  }
0x37: {  	[smem:$0x3FBA] =	sst s10  }
0x38: {  	s10 =	sld [smem:$0x3FBB]  }
0x39: {  	_ = 	snop;
	(pc) =	sbr.ind lr, $3  }
0x3a: {  	_ = 	snop  }
0x3b: {  	_ = 	snop  }
0x3c: {  	p2 =	seq.s32 s10, $0x1;
	s10 =	sld [smem:$0x3FBA]  }
0x3d: {  	_ =	shalt  }
0x3e: {  	_ =	shalt  }
0x3f: {  	_ =	shalt  }
0x40: {  	_ =	shalt  }
0x41: {  	_ =	shalt  }
0x42: {  	_ =	shalt  }
0x43: {  	_ =	shalt  }
0x44: {  	_ =	shalt  }
0x45: {  	_ =	shalt  }
0x46: {  	_ =	shalt  }
0x47: {  	_ =	shalt  }
0x48: {  	_ =	shalt  }
0x49: {  	_ =	shalt  }
0x4a: {  	_ =	shalt  }
0x4b: {  	_ =	shalt  }
0x4c: {  	_ =	shalt  }
0x4d: {  	_ =	shalt  }
0x4e: {  	_ =	shalt  }
0x4f: {  	_ =	shalt  }
0x50: {  	_ =	shalt  }
0x51: {  	_ =	shalt  }
0x52: {  	_ =	shalt  }
0x53: {  	_ =	shalt  }
0x54: {  	_ =	shalt  }
0x55: {  	_ =	shalt  }
0x56: {  	_ =	shalt  }
0x57: {  	_ =	shalt  }
0x58: {  	_ =	shalt  }
0x59: {  	_ =	shalt  }
0x5a: {  	_ =	shalt  }
0x5b: {  	_ =	shalt  }
0x5c: {  	_ =	shalt  }
0x5d: {  	_ =	shalt  }
0x5e: {  	_ =	shalt  }
0x5f: {  	_ =	shalt  }
0x60: {  	_ =	shalt  }
0x61: {  	_ =	shalt  }
0x62: {  	_ =	shalt  }
0x63: {  	_ =	shalt  }
0x64: {  	_ =	shalt  }
0x65: {  	_ =	shalt  }
0x66: {  	_ =	shalt  }
0x67: {  	_ =	shalt  }
0x68: {  	_ =	shalt  }
0x69: {  	_ =	shalt  }
0x6a: {  	_ =	shalt  }
0x6b: {  	_ =	shalt  }
0x6c: {  	_ =	shalt  }
0x6d: {  	_ =	shalt  }
0x6e: {  	_ =	shalt  }
0x6f: {  	_ =	shalt  }
0x70: {  	_ =	shalt  }
0x71: {  	_ =	shalt  }
0x72: {  	_ =	shalt  }
0x73: {  	_ =	shalt  }
0x74: {  	_ =	shalt  }
0x75: {  	_ =	shalt  }
0x76: {  	_ =	shalt  }
0x77: {  	_ =	shalt  }
0x78: {  	_ =	shalt  }
0x79: {  	_ =	shalt  }
0x7a: {  	_ =	shalt  }
0x7b: {  	_ =	shalt  }
0x7c: {  	_ =	shalt  }
0x7d: {  	_ =	shalt  }
0x7e: {  	_ =	shalt  }
0x7f: {  	_ =	shalt  }
0x80: {  	_ =	shalt  }
0x81: {  	_ =	shalt  }
0x82: {  	_ =	shalt  }
0x83: {  	_ =	shalt  }
0x84: {  	_ =	shalt  }
0x85: {  	_ =	shalt  }
0x86: {  	_ =	shalt  }
0x87: {  	_ =	shalt  }
.Lfunc_end0:
.L_simem_size_0:
called_computation.1_lowered:
.L_overlay_start_0:
0x88: {  	s2 =	sld [smem:$0x3FD9]  }
0x89: {  	s3 =	sld [smem:$0x3FFE];
	_ =	sdelay $0x1  }
0x8a: {  	s1 =	srdreg.scid  }
0x8b: {  	s0 =	sand.u32 $0x1, s1  }
0x8c: {  	s14 =	sshll.u32 s0, $0xA;
	s2 =	sadd.s32 s3, s2  }
0x8d: {  	s2 =	sadd.s32 s2, s14  }
0x8e: {  	[smem:$0x3FC6] =	sst s2  }
0x8f: {  	_ = 	snop  }
0x90: {  	s2 =	sld [smem:$0x3FD0];
	_ =	sdelay $0x2  }
0x91: {  	s15 =	simm.s32 $0xA;
	s4 =	simm.s32 $0x10  }
0x92: {  	[smem:s4], [sflag:s15] =	dma.local [hbm:s2], $0x1  }
0x93: {  	_ =	swait.eq [sflag:s15], $0x1  }
0x94: {  	[sflag:s15] =	ssyncset.done $0x0  }
0x95: {  	s16 =	sld [smem:$0x11];
	[sflag:s15] =	ssyncadd.s32 $0xFFFFFFFF  }
0x96: {  	s17 =	sld [smem:$0x12];
	(tm) =	ssettm $0x1  }
0x97: {  	s18 =	sld [smem:$0x3FFB];
	_ =	sdelay $0x3  }
0x98: {  	_ =	strace s18  }
0x99: {  	s4 =	sld [smem:$0x3FFC];
	_ =	sdelay $0x3  }
0x9a: {  	_ =	strace s4  }
0x9b: {  	s4 =	sld [smem:$0x3FFD];
	_ =	sdelay $0x3  }
0x9c: {  	_ =	strace s4  }
0x9d: {  	_ =	strace $0x8FFFFFFF  }
0x9e: {  	s19 =	sld [smem:$0x3FDB];
	_ =	sdelay $0x1  }
0x9f: {  	s5 =	simm.s32 $_scs_section_size  }
0xa0: {  	s6 =	simm.s32 $_size__tile_overlayer_lowered;
	s7 =	simm.s32 $_tile_overlayer_lowered  }
0xa1: {  	s22 =	simm.s32 $0x1BFF;
	s21 =	sshll.u32 s7, $0x1;
	s4 =	sadd.s32 s5, s19  }
0xa2: {  	s8 =	simm.s32 $0x0;
	s20 =	sshll.u32 s6, $0x1;
	s6 =	sadd.s32 s21, s4  }
0xa3: {  	[timem:s8], [sflag:s22] =	dma.local [hbm:s6], s20  }
0xa4: {  	_ =	swait.ge [sflag:s22], s20  }
0xa5: {  	s5 =	ssub.s32 $0x0, s20;
	[sflag:s22] =	ssyncset.done $0x0  }
0xa6: {  	[sflag:s22] =	ssyncadd.s32 s5;
	_ =	sdelay $0x1  }
0xa7: {  	s23 =	simm.s32 $0x1B8B  }
0xa8: {  	_ =	swait.ge [sflag:s23], $0x1  }
0xa9: {  	[sflag:s23] =	ssyncset.done $0x0  }
0xaa: {  	s25 =	simm.s32 $0x1B8E;
	s24 =	sld [smem:$0x3FFE];
	[sflag:s23] =	ssyncadd.s32 $0xFFFFFFFF  }
0xab: {  	s26 =	simm.s32 $execute0_lowered;
	[smem:$0x3FD2] =	sst s25  }
0xac: {  	s6 =	sshll.u32 s26, $0x1;
	_ =	strace $0x80000046;
	[dreg:$0x1] =	wrdreg $0xFFFFFFFF  }
0xad: {  	s28 =	simm.s32 $_size_execute0_lowered;
	s4 =	sadd.s32 s4, s6;
	[dreg:$0x0] =	wrdreg $0x0  }
0xae: {  	s6 =	sshll.u32 s28, $0x1;
	[dreg:$0x2] =	wrdreg s4  }
0xaf: {  	[dreg:$0x3] =	wrdreg s6  }
0xb0: {  	[dreg:$0x4] =	wrdreg $0xC0  }
0xb1: {  	_ =	task [dreg:s8], $0x5FFFF  }
0xb2: {  	[dreg:$0x1] =	wrdreg $0xFFFFFFFF  }
0xb3: {  	[dreg:$0x0] =	wrdreg $0x60  }
0xb4: {  	[dreg:$0x2] =	wrdreg s16  }
0xb5: {  	[dreg:$0x3] =	wrdreg s17  }
0xb6: {  	[dreg:$0x4] =	wrdreg s24  }
0xb7: {  	[dreg:$0x5] =	wrdreg $0x9  }
0xb8: {  	_ =	task.clear_ibuf [dreg:s8], $0x6FFFF;
	_ =	strace $0x90000046  }
0xb9: {  	s29 =	simm.s32 $0x9;
	_ =	strace $0x80000048  }
0xba: {  	_ =	swait.ge [sflag:s29], $0x1  }
0xbb: {  	[sflag:s29] =	ssyncadd.s32 $0xFFFFFFFF  }
0xbc: {  	_ =	strace $0x90000048  }
0xbd: {  	_ =	sfence  }
0xbe: {  	s30 =	sld [smem:$0x0];
	_ =	sdelay $0x2  }
0xbf: {  	s31 =	sshll.u32 s1, $0xD;
	s1 =	sshrl.u32 s1, $0x2  }
0xc0: {  	s3 =	sand.u32 $0x4000, s31;
	s1 =	sadd.s32 s1, s30  }
0xc1: {  	s0 =	sor.u32 s3, s0;
	s1 =	sshll.u32 s1, $0x11  }
0xc2: {  	s0 =	sor.u32 s1, s0  }
0xc3: {  	s0 =	sadd.s32 $0x8F2B, s0  }
0xc4: {  	[sflag:s0] =	ssyncadd.remote.s32 $0x1  }
0xc5: {  	_ =	sfence.sel $0xFFFF  }
0xc6: {  	[dreg:$0x0] =	wrdreg $0xFFFFFFFF;
	(pc) =	sbr.abs _section_cstart, $3  }
0xc7: {  	[dreg:$0x1] =	wrdreg $0xFFFFFFFF  }
0xc8: {  	_ =	task.clear_ibuf [dreg:s8], $0x2FFFF;
	_ =	strace $0x9FFFFFFF  }
0xc9: {  	(tm) =	ssettm $0x7FFFFFFF  }
tec
execute0_lowered:
.L_overlay_start_1:
0x0: {  	(tag) =	ssettag $0x1  }
0x1: {  	s0 =	rddreg [dreg:$0x0]  }
0x2: {  	s2 =	rddreg [dreg:$0x1]  }
0x3: {  	s4 =	rddreg [dreg:$0x2]  }
0x4: {  	s3 =	srdreg.scid;
	s1 =	stileid.u32  }
0x5: {  	s11 =	simm.s32 $0x4000;
	s12 =	simm.s32 $0x80;
	s13 =	simm.s32 $0x5C00  }
0x6: {  	s14 =	simm.s32 $0x100;
	s15 =	simm.s32 $0x7800;
	s16 =	simm.s32 $0x180  }
0x7: {  	s17 =	simm.s32 $0x9400;
	s18 =	simm.s32 $0x200;
	s19 =	simm.s32 $0xB000  }
0x8: {  	s20 =	simm.s32 $0x280;
	s28 =	simm.s32 $0x2;
	s29 =	simm.s32 $0x0  }
0x9: {  	s5 =	sand.u32 $0x1, s3;
	s3 =	simm.s32 $0x0;
	s6 =	sshll.u32 s1, $0x8  }
0xa: {  	s9 =	sadd.s32 $0x800, s4;
	s24 =	smul.u32 $0x38000, s1;
	s7 =	sshll.u32 s5, $0x7  }
0xb: {  	[smem:$0x7FF] =	sst s3;
	s21 =	ssub.s32 $0x2, s5;
	s26 =	smul.u32 $0x1C000, s5  }
0xc: {  	s6 =	sor.u32 s7, s6;
	_ =	strace $0x80000047;
	s22 =	sshrl.u32 s21, $0x1  }
0xd: {  	s30 =	sadd.s32 s24, s9;
	s24 =	simm.s32 $0x380;
	s8 =	smul.u32 $0x380, s6  }
0xe: {  	s10 =	smul.u32 $0x1C00, s6;
	s7 =	ssub.s32 s21, s22;
	s23 =	sshll.u32 s6, $0x4  }
0xf: {  	s31 =	sadd.s32 s26, s30;
	s21 =	simm.s32 $0xCC00;
	s22 =	simm.s32 $0x300  }
0x10: {  	s26 =	simm.s32 $0x1;
	s4 =	sadd.s32 s0, s23;
	s7 =	smax.u32 s7, $0x1  }
0x11: {  	s23 =	simm.s32 $0xE800;
	s25 =	sshrl.u32 s10, $0x3;
	s5 =	sadd.s32 s9, s8  }
0x12: {  	s8 =	sadd.s32 $0x1C00, s31;
	s10 =	simm.s32 $0x32;
	s0 =	sadd.s32 s9, s25  }
0x13: {  	s9 =	simm.s32 $0x3;
	s25 =	simm.s32 $0x10400;
	s6 =	sadd.s32 $0x1B200, s0  }
.LBB2_1:
0x14: {  	[tilespmem:s3], [sflag:$0x3] =	stream.linear.gather [hbm4b:s4+s3], $0x4000, $0x38;
	[tilespmem:$0x12000] =	vst v63  }
0x15: {  	_ =	swait.ge [sflag:s9], $0x4000  }
0x16: {  	[sflag:s9] =	ssyncset.done $0x0  }
0x17: {  	[sflag:s9] =	ssyncadd.s32 $0xFFFFC000  }
0x18: {  	[tilespmem:s11], [sflag:$0x1] =	stream.indirect.gather [hbm4b:s2+s10], $0x80, s3, s10, $0xb8;
	[tilespmem:$0x12000] =	vst v63  }
0x19: {  	_ = 	snop  }
0x1a: {  	[tilespmem:s13], [sflag:$0x1] =	stream.indirect.gather [hbm4b:s2+s10], $0x80, s12, s10, $0xb8;
	[tilespmem:$0x12000] =	vst v63  }
0x1b: {  	_ = 	snop  }
0x1c: {  	[tilespmem:s15], [sflag:$0x1] =	stream.indirect.gather [hbm4b:s2+s10], $0x80, s14, s10, $0xb8;
	[tilespmem:$0x12000] =	vst v63  }
0x1d: {  	_ = 	snop  }
0x1e: {  	[tilespmem:s17], [sflag:$0x1] =	stream.indirect.gather [hbm4b:s2+s10], $0x80, s16, s10, $0xb8;
	[tilespmem:$0x12000] =	vst v63  }
0x1f: {  	_ = 	snop  }
0x20: {  	[tilespmem:s19], [sflag:$0x1] =	stream.indirect.gather [hbm4b:s2+s10], $0x80, s18, s10, $0xb8;
	[tilespmem:$0x12000] =	vst v63  }
0x21: {  	_ = 	snop  }
0x22: {  	[tilespmem:s21], [sflag:$0x1] =	stream.indirect.gather [hbm4b:s2+s10], $0x80, s20, s10, $0xb8;
	[tilespmem:$0x12000] =	vst v63  }
0x23: {  	_ = 	snop  }
0x24: {  	[tilespmem:s23], [sflag:$0x1] =	stream.indirect.gather [hbm4b:s2+s10], $0x80, s22, s10, $0xb8;
	[tilespmem:$0x12000] =	vst v63  }
0x25: {  	_ = 	snop  }
0x26: {  	[tilespmem:s25], [sflag:$0x1] =	stream.indirect.gather [hbm4b:s2+s10], $0x80, s24, s10, $0xb8;
	[tilespmem:$0x12000] =	vst v63  }
0x27: {  	_ =	swait.ge [sflag:s26], $0x1900  }
0x28: {  	[sflag:s26] =	ssyncset.done $0x0  }
0x29: {  	[sflag:s26] =	ssyncadd.s32 $0xFFFFE700  }
0x2a: {  	_ =	swait.ge [sflag:s26], $0x1900  }
0x2b: {  	[sflag:s26] =	ssyncset.done $0x0  }
0x2c: {  	[sflag:s26] =	ssyncadd.s32 $0xFFFFE700  }
0x2d: {  	_ =	swait.ge [sflag:s26], $0x1900  }
0x2e: {  	[sflag:s26] =	ssyncset.done $0x0  }
0x2f: {  	[sflag:s26] =	ssyncadd.s32 $0xFFFFE700  }
0x30: {  	_ =	swait.ge [sflag:s26], $0x1900  }
0x31: {  	[sflag:s26] =	ssyncset.done $0x0  }
0x32: {  	[sflag:s26] =	ssyncadd.s32 $0xFFFFE700  }
0x33: {  	[hbm4b:s5+s3] =	stream.linear.scatter [tilespmem:s11], [sflag:$0x2], $0x1900, $0x38;
	[tilespmem:$0x12000] =	vst v63  }
0x34: {  	s0 =	sadd.s32 $0x380, s5  }
0x35: {  	[hbm4b:s0+s3] =	stream.linear.scatter [tilespmem:s13], [sflag:$0x2], $0x1900, $0x38;
	[tilespmem:$0x12000] =	vst v63  }
0x36: {  	s1 =	sadd.s32 $0x700, s5  }
0x37: {  	[hbm4b:s1+s3] =	stream.linear.scatter [tilespmem:s15], [sflag:$0x2], $0x1900, $0x38;
	[tilespmem:$0x12000] =	vst v63  }
0x38: {  	s1 =	sadd.s32 $0xA80, s5  }
0x39: {  	[hbm4b:s1+s3] =	stream.linear.scatter [tilespmem:s17], [sflag:$0x2], $0x1900, $0x38;
	[tilespmem:$0x12000] =	vst v63  }
0x3a: {  	_ =	swait.ge [sflag:s26], $0x1900  }
0x3b: {  	[sflag:s26] =	ssyncset.done $0x0  }
0x3c: {  	[sflag:s26] =	ssyncadd.s32 $0xFFFFE700  }
0x3d: {  	_ =	swait.ge [sflag:s26], $0x1900  }
0x3e: {  	[sflag:s26] =	ssyncset.done $0x0  }
0x3f: {  	[sflag:s26] =	ssyncadd.s32 $0xFFFFE700  }
0x40: {  	_ =	swait.ge [sflag:s26], $0x1900  }
0x41: {  	[sflag:s26] =	ssyncset.done $0x0  }
0x42: {  	[sflag:s26] =	ssyncadd.s32 $0xFFFFE700  }
0x43: {  	_ =	swait.ge [sflag:s26], $0x1900  }
0x44: {  	[sflag:s26] =	ssyncset.done $0x0  }
0x45: {  	s1 =	sadd.s32 $0xFFFFF200, s8;
	[sflag:s26] =	ssyncadd.s32 $0xFFFFE700  }
0x46: {  	[hbm4b:s1+s3] =	stream.linear.scatter [tilespmem:s19], [sflag:$0x2], $0x1900, $0x38;
	[tilespmem:$0x12000] =	vst v63  }
0x47: {  	s1 =	sadd.s32 $0xFFFFF580, s8  }
0x48: {  	[hbm4b:s1+s3] =	stream.linear.scatter [tilespmem:s21], [sflag:$0x2], $0x1900, $0x38;
	[tilespmem:$0x12000] =	vst v63  }
0x49: {  	s1 =	sadd.s32 $0xFFFFF900, s8  }
0x4a: {  	[hbm4b:s1+s3] =	stream.linear.scatter [tilespmem:s23], [sflag:$0x2], $0x1900, $0x38;
	[tilespmem:$0x12000] =	vst v63  }
0x4b: {  	s1 =	sadd.s32 $0xFFFFFC80, s8  }
0x4c: {  	[hbm4b:s1+s3] =	stream.linear.scatter [tilespmem:s25], [sflag:$0x2], $0x1900, $0x38;
	[tilespmem:$0x12000] =	vst v63  }
0x4d: {  	_ =	swait.ge [sflag:s28], $0x6400  }
0x4e: {  	[sflag:s28] =	ssyncset.done $0x0  }
0x4f: {  	s1 =	simm.s32 $0x400;
	[sflag:s28] =	ssyncadd.s32 $0xFFFF9C00  }
0x50: {  	[tilespmem:s11], [sflag:$0x1] =	stream.indirect.gather [hbm4b:s2+s10], $0x80, s1, s10, $0xb8;
	[tilespmem:$0x12000] =	vst v63  }
0x51: {  	s1 =	simm.s32 $0x480  }
0x52: {  	[tilespmem:s13], [sflag:$0x1] =	stream.indirect.gather [hbm4b:s2+s10], $0x80, s1, s10, $0xb8;
	[tilespmem:$0x12000] =	vst v63  }
0x53: {  	s1 =	simm.s32 $0x500  }
0x54: {  	[tilespmem:s15], [sflag:$0x1] =	stream.indirect.gather [hbm4b:s2+s10], $0x80, s1, s10, $0xb8;
	[tilespmem:$0x12000] =	vst v63  }
0x55: {  	s1 =	simm.s32 $0x580  }
0x56: {  	[tilespmem:s17], [sflag:$0x1] =	stream.indirect.gather [hbm4b:s2+s10], $0x80, s1, s10, $0xb8;
	[tilespmem:$0x12000] =	vst v63  }
0x57: {  	_ =	swait.ge [sflag:s26], $0x1900  }
0x58: {  	[sflag:s26] =	ssyncset.done $0x0  }
0x59: {  	[sflag:s26] =	ssyncadd.s32 $0xFFFFE700  }
0x5a: {  	_ =	swait.ge [sflag:s26], $0x1900  }
0x5b: {  	[sflag:s26] =	ssyncset.done $0x0  }
0x5c: {  	[sflag:s26] =	ssyncadd.s32 $0xFFFFE700  }
0x5d: {  	_ =	swait.ge [sflag:s26], $0x1900  }
0x5e: {  	[sflag:s26] =	ssyncset.done $0x0  }
0x5f: {  	[sflag:s26] =	ssyncadd.s32 $0xFFFFE700  }
0x60: {  	_ =	swait.ge [sflag:s26], $0x1900  }
0x61: {  	[sflag:s26] =	ssyncset.done $0x0  }
0x62: {  	[sflag:s26] =	ssyncadd.s32 $0xFFFFE700  }
0x63: {  	[hbm4b:s8+s3] =	stream.linear.scatter [tilespmem:s11], [sflag:$0x2], $0x1900, $0x38;
	[tilespmem:$0x12000] =	vst v63  }
0x64: {  	s1 =	sadd.s32 $0x380, s8  }
0x65: {  	[hbm4b:s1+s3] =	stream.linear.scatter [tilespmem:s13], [sflag:$0x2], $0x1900, $0x38;
	[tilespmem:$0x12000] =	vst v63  }
0x66: {  	s1 =	sadd.s32 $0x700, s8  }
0x67: {  	[hbm4b:s1+s3] =	stream.linear.scatter [tilespmem:s15], [sflag:$0x2], $0x1900, $0x38;
	[tilespmem:$0x12000] =	vst v63  }
0x68: {  	s1 =	sadd.s32 $0xA80, s8  }
0x69: {  	[hbm4b:s1+s3] =	stream.linear.scatter [tilespmem:s17], [sflag:$0x2], $0x1900, $0x38;
	[tilespmem:$0x12000] =	vst v63  }
0x6a: {  	_ =	swait.ge [sflag:s28], $0x6400  }
0x6b: {  	[sflag:s28] =	ssyncset.done $0x0  }
0x6c: {  	s1 =	simm.s32 $0x600;
	[sflag:s28] =	ssyncadd.s32 $0xFFFF9C00  }
0x6d: {  	[tilespmem:s19], [sflag:$0x1] =	stream.indirect.gather [hbm4b:s2+s10], $0x80, s1, s10, $0xb8;
	[tilespmem:$0x12000] =	vst v63  }
0x6e: {  	s30 =	simm.s32 $0x1000;
	s1 =	simm.s32 $0x680  }
0x6f: {  	[tilespmem:s21], [sflag:$0x1] =	stream.indirect.gather [hbm4b:s2+s10], $0x80, s1, s10, $0xb8;
	[tilespmem:$0x12000] =	vst v63  }
0x70: {  	s31 =	sadd.s32 $0x1C00, s8;
	s0 =	simm.s32 $0x780;
	s1 =	simm.s32 $0x700  }
0x71: {  	[tilespmem:s23], [sflag:$0x1] =	stream.indirect.gather [hbm4b:s2+s10], $0x80, s1, s10, $0xb8;
	[tilespmem:$0x12000] =	vst v63  }
.LBB2_2:
0x72: {  	[tilespmem:s25], [sflag:$0x1] =	stream.indirect.gather [hbm4b:s2+s10], $0x80, s0, s10, $0xb8;
	[tilespmem:$0x12000] =	vst v63  }
0x73: {  	s0 =	smov.u32 s30  }
0x74: {  	p0 =	sne.s32 s30, $0xE000;
	s30 =	sadd.s32 $0x1000, s30;
	_ =	swait.ge [sflag:s26], $0x1900  }
0x75: {  	[sflag:s26] =	ssyncset.done $0x0  }
0x76: {  	[sflag:s26] =	ssyncadd.s32 $0xFFFFE700  }
0x77: {  	_ =	swait.ge [sflag:s26], $0x1900  }
0x78: {  	[sflag:s26] =	ssyncset.done $0x0  }
0x79: {  	[sflag:s26] =	ssyncadd.s32 $0xFFFFE700  }
0x7a: {  	_ =	swait.ge [sflag:s26], $0x1900  }
0x7b: {  	[sflag:s26] =	ssyncset.done $0x0  }
0x7c: {  	[sflag:s26] =	ssyncadd.s32 $0xFFFFE700  }
0x7d: {  	_ =	swait.ge [sflag:s26], $0x1900  }
0x7e: {  	[sflag:s26] =	ssyncset.done $0x0  }
0x7f: {  	s1 =	sadd.s32 $0xFFFFF200, s31;
	[sflag:s26] =	ssyncadd.s32 $0xFFFFE700  }
0x80: {  	[hbm4b:s1+s3] =	stream.linear.scatter [tilespmem:s19], [sflag:$0x2], $0x1900, $0x38;
	[tilespmem:$0x12000] =	vst v63  }
0x81: {  	s1 =	sadd.s32 $0xFFFFF580, s31  }
0x82: {  	[hbm4b:s1+s3] =	stream.linear.scatter [tilespmem:s21], [sflag:$0x2], $0x1900, $0x38;
	[tilespmem:$0x12000] =	vst v63  }
0x83: {  	s1 =	sadd.s32 $0xFFFFF900, s31  }
0x84: {  	[hbm4b:s1+s3] =	stream.linear.scatter [tilespmem:s23], [sflag:$0x2], $0x1900, $0x38;
	[tilespmem:$0x12000] =	vst v63  }
0x85: {  	s1 =	sadd.s32 $0xFFFFFC80, s31  }
0x86: {  	[hbm4b:s1+s3] =	stream.linear.scatter [tilespmem:s25], [sflag:$0x2], $0x1900, $0x38;
	[tilespmem:$0x12000] =	vst v63  }
0x87: {  	_ =	swait.ge [sflag:s28], $0x6400  }
0x88: {  	s0 =	sshra.s32 s0, $0x2;
	[sflag:s28] =	ssyncset.done $0x0  }
0x89: {  	s1 =	sadd.s32 $0x400, s0;
	[sflag:s28] =	ssyncadd.s32 $0xFFFF9C00  }
0x8a: {  	[tilespmem:s11], [sflag:$0x1] =	stream.indirect.gather [hbm4b:s2+s10], $0x80, s1, s10, $0xb8;
	[tilespmem:$0x12000] =	vst v63  }
0x8b: {  	s1 =	sadd.s32 $0x480, s0  }
0x8c: {  	[tilespmem:s13], [sflag:$0x1] =	stream.indirect.gather [hbm4b:s2+s10], $0x80, s1, s10, $0xb8;
	[tilespmem:$0x12000] =	vst v63  }
0x8d: {  	s1 =	sadd.s32 $0x500, s0  }
0x8e: {  	[tilespmem:s15], [sflag:$0x1] =	stream.indirect.gather [hbm4b:s2+s10], $0x80, s1, s10, $0xb8;
	[tilespmem:$0x12000] =	vst v63  }
0x8f: {  	s1 =	sadd.s32 $0x580, s0  }
0x90: {  	[tilespmem:s17], [sflag:$0x1] =	stream.indirect.gather [hbm4b:s2+s10], $0x80, s1, s10, $0xb8;
	[tilespmem:$0x12000] =	vst v63  }
0x91: {  	_ =	swait.ge [sflag:s26], $0x1900  }
0x92: {  	[sflag:s26] =	ssyncset.done $0x0  }
0x93: {  	[sflag:s26] =	ssyncadd.s32 $0xFFFFE700  }
0x94: {  	_ =	swait.ge [sflag:s26], $0x1900  }
0x95: {  	[sflag:s26] =	ssyncset.done $0x0  }
0x96: {  	[sflag:s26] =	ssyncadd.s32 $0xFFFFE700  }
0x97: {  	_ =	swait.ge [sflag:s26], $0x1900  }
0x98: {  	[sflag:s26] =	ssyncset.done $0x0  }
0x99: {  	[sflag:s26] =	ssyncadd.s32 $0xFFFFE700  }
0x9a: {  	_ =	swait.ge [sflag:s26], $0x1900  }
0x9b: {  	[sflag:s26] =	ssyncset.done $0x0  }
0x9c: {  	[sflag:s26] =	ssyncadd.s32 $0xFFFFE700  }
0x9d: {  	[hbm4b:s31+s3] =	stream.linear.scatter [tilespmem:s11], [sflag:$0x2], $0x1900, $0x38;
	[tilespmem:$0x12000] =	vst v63  }
0x9e: {  	s1 =	sadd.s32 $0x380, s31  }
0x9f: {  	[hbm4b:s1+s3] =	stream.linear.scatter [tilespmem:s13], [sflag:$0x2], $0x1900, $0x38;
	[tilespmem:$0x12000] =	vst v63  }
0xa0: {  	s1 =	sadd.s32 $0x700, s31  }
0xa1: {  	[hbm4b:s1+s3] =	stream.linear.scatter [tilespmem:s15], [sflag:$0x2], $0x1900, $0x38;
	[tilespmem:$0x12000] =	vst v63  }
0xa2: {  	s1 =	sadd.s32 $0xA80, s31  }
0xa3: {  	[hbm4b:s1+s3] =	stream.linear.scatter [tilespmem:s17], [sflag:$0x2], $0x1900, $0x38;
	[tilespmem:$0x12000] =	vst v63  }
0xa4: {  	_ =	swait.ge [sflag:s28], $0x6400  }
0xa5: {  	[sflag:s28] =	ssyncset.done $0x0  }
0xa6: {  	s1 =	sadd.s32 $0x600, s0;
	[sflag:s28] =	ssyncadd.s32 $0xFFFF9C00  }
0xa7: {  	[tilespmem:s19], [sflag:$0x1] =	stream.indirect.gather [hbm4b:s2+s10], $0x80, s1, s10, $0xb8;
	[tilespmem:$0x12000] =	vst v63  }
.Ltmp0:
0xa8: {  	s1 =	sadd.s32 $0x680, s0;
	(pc) =	sbr.rel @p0 .LBB2_2-.Ltmp0, $4  }
0xa9: {  	[tilespmem:s21], [sflag:$0x1] =	stream.indirect.gather [hbm4b:s2+s10], $0x80, s1, s10, $0xb8;
	[tilespmem:$0x12000] =	vst v63  }
0xaa: {  	s1 =	sadd.s32 $0x700, s0  }
0xab: {  	[tilespmem:s23], [sflag:$0x1] =	stream.indirect.gather [hbm4b:s2+s10], $0x80, s1, s10, $0xb8;
	[tilespmem:$0x12000] =	vst v63  }
0xac: {  	s31 =	sadd.s32 $0x1C00, s31;
	s0 =	sadd.s32 $0x780, s0  }
0xad: {  	[tilespmem:s25], [sflag:$0x1] =	stream.indirect.gather [hbm4b:s2+s10], $0x80, s0, s10, $0xb8;
	[tilespmem:$0x12000] =	vst v63  }
0xae: {  	_ =	swait.ge [sflag:s26], $0x1900  }
0xaf: {  	[sflag:s26] =	ssyncset.done $0x0  }
0xb0: {  	[sflag:s26] =	ssyncadd.s32 $0xFFFFE700  }
0xb1: {  	_ =	swait.ge [sflag:s26], $0x1900  }
0xb2: {  	[sflag:s26] =	ssyncset.done $0x0  }
0xb3: {  	[sflag:s26] =	ssyncadd.s32 $0xFFFFE700  }
0xb4: {  	_ =	swait.ge [sflag:s26], $0x1900  }
0xb5: {  	[sflag:s26] =	ssyncset.done $0x0  }
0xb6: {  	[sflag:s26] =	ssyncadd.s32 $0xFFFFE700  }
0xb7: {  	_ =	swait.ge [sflag:s26], $0x1900  }
0xb8: {  	[sflag:s26] =	ssyncset.done $0x0  }
0xb9: {  	[sflag:s26] =	ssyncadd.s32 $0xFFFFE700  }
0xba: {  	[hbm4b:s6+s3] =	stream.linear.scatter [tilespmem:s19], [sflag:$0x2], $0x1900, $0x38;
	[tilespmem:$0x12000] =	vst v63  }
0xbb: {  	s1 =	sadd.s32 $0x380, s6  }
0xbc: {  	[hbm4b:s1+s3] =	stream.linear.scatter [tilespmem:s21], [sflag:$0x2], $0x1900, $0x38;
	[tilespmem:$0x12000] =	vst v63  }
0xbd: {  	s30 =	sadd.s32 $0x700, s6  }
0xbe: {  	[hbm4b:s30+s3] =	stream.linear.scatter [tilespmem:s23], [sflag:$0x2], $0x1900, $0x38;
	[tilespmem:$0x12000] =	vst v63  }
0xbf: {  	s31 =	sadd.s32 $0xA80, s6;
	s29 =	sadd.s32 $0x1, s29  }
0xc0: {  	[hbm4b:s31+s3] =	stream.linear.scatter [tilespmem:s25], [sflag:$0x2], $0x1900, $0x38;
	[tilespmem:$0x12000] =	vst v63  }
0xc1: {  	p0 =	sne.s32 s29, s7;
	_ =	swait.ge [sflag:s28], $0x6400  }
.Ltmp1:
0xc2: {  	[sflag:s28] =	ssyncset.done $0x0;
	(pc) =	sbr.rel @p0 .LBB2_1-.Ltmp1, $4  }
0xc3: {  	[sflag:s28] =	ssyncadd.s32 $0xFFFF9C00  }
0xc4: {  	_ =	swait.ge [sflag:s28], $0x6400  }
0xc5: {  	[sflag:s28] =	ssyncset.done $0x0  }
0xc6: {  	[sflag:s28] =	ssyncadd.s32 $0xFFFF9C00  }
0xc7: {  	_ =	sfence.sel $0x180000  }
0xc8: {  	[bflag:$0x0] =	sbarrier.arrive $0xFFFF  }
0xc9: {  	_ =	strace $0x90000047  }
0xca: {  	s0 =	stileid.u32;
	[bflag:$0x2] =	sbarrier.arrive $0xFFFF  }
0xcb: {  	p0 =	sne.s32 s0, $0x0;
	s0 =	rddreg [dreg:$0x3]  }
0xcc: {  	s0 =	sadd.s32 @!p0 $0x100000, s0  }
0xcd: {  	[sflag:s0] =	ssyncadd.tile.s32 @!p0 $0x1;
	_ =	shalt  }
.Lfunc_end2:
_tile_overlayer_lowered:
.L_overlay_start_2:
0xce: {  	(tag) =	ssettag $0x2  }
0xcf: {  	s0 =	rddreg [dreg:$0x0];
	s2 =	stileid.u32  }
0xd0: {  	s1 =	rddreg [dreg:$0x1];
	p0 =	sne.s32 s2, $0x0  }
0xd1: {  	s3 =	rddreg [dreg:$0x2];
	[bflag:$0x3] =	sbarrier.arrive $0xFFFF;
	s2 =	simm.s32 @!p0 $0x1C03  }
0xd2: {  	[timem:s3], [sflag:s2] =	dma.local @!p0 [hbm:s0], s1  }
0xd3: {  	s0 =	simm.s32 @!p0 $0x3  }
0xd4: {  	_ =	swait.ge @!p0 [sflag:s0], s1  }
0xd5: {  	s1 =	ssub.s32 @!p0 $0x0, s1;
	[sflag:s0] =	ssyncset.done @!p0 $0x0  }
0xd6: {  	[sflag:s0] =	ssyncadd.s32 @!p0 s1  }
0xd7: {  	[bflag:$0x3] =	sbarrier.arrive $0xFFFF  }
0xd8: {  	_ =	shalt  }

// kernel: sparse-core-data-format-call.cloned.1.call-start
scs
called_computation_lowered:
.L_overlay_start_0:
0x0: {  	s2 =	sld [smem:$0x3FD9]  }
0x1: {  	s3 =	sld [smem:$0x3FFE];
	_ =	sdelay $0x1  }
0x2: {  	s1 =	srdreg.scid  }
0x3: {  	s0 =	sand.u32 $0x1, s1  }
0x4: {  	s15 =	sshll.u32 s0, $0xA;
	s2 =	sadd.s32 s3, s2  }
0x5: {  	s2 =	sadd.s32 s2, s15  }
0x6: {  	[smem:$0x3FC6] =	sst s2  }
0x7: {  	_ = 	snop  }
0x8: {  	s2 =	sld [smem:$0x3FD0];
	_ =	sdelay $0x2  }
0x9: {  	s16 =	simm.s32 $0xA;
	s4 =	simm.s32 $0x10  }
0xa: {  	[smem:s4], [sflag:s16] =	dma.local [hbm:s2], $0x1  }
0xb: {  	_ =	swait.eq [sflag:s16], $0x1  }
0xc: {  	[sflag:s16] =	ssyncset.done $0x0  }
0xd: {  	[sflag:s16] =	ssyncadd.s32 $0xFFFFFFFF  }
0xe: {  	s17 =	sld [smem:$0x10];
	(tm) =	ssettm $0x1  }
0xf: {  	s18 =	sld [smem:$0x3FFB];
	_ =	sdelay $0x3  }
0x10: {  	_ =	strace s18  }
0x11: {  	s3 =	sld [smem:$0x3FFC];
	_ =	sdelay $0x3  }
0x12: {  	_ =	strace s3  }
0x13: {  	s3 =	sld [smem:$0x3FFD];
	_ =	sdelay $0x3  }
0x14: {  	_ =	strace s3  }
0x15: {  	_ =	strace $0x8FFFFFFF  }
0x16: {  	s19 =	sld [smem:$0x3FDB];
	_ =	sdelay $0x1  }
0x17: {  	s20 =	simm.s32 $_scs_section_size  }
0x18: {  	s5 =	simm.s32 $_size__tile_overlayer_lowered;
	s6 =	simm.s32 $_tile_overlayer_lowered  }
0x19: {  	s23 =	simm.s32 $0x1BFF;
	s22 =	sshll.u32 s6, $0x1;
	s3 =	sadd.s32 s20, s19  }
0x1a: {  	s7 =	simm.s32 $0x0;
	s21 =	sshll.u32 s5, $0x1;
	s5 =	sadd.s32 s22, s3  }
0x1b: {  	[timem:s7], [sflag:s23] =	dma.local [hbm:s5], s21  }
0x1c: {  	_ =	swait.ge [sflag:s23], s21  }
0x1d: {  	s4 =	ssub.s32 $0x0, s21;
	[sflag:s23] =	ssyncset.done $0x0  }
0x1e: {  	[sflag:s23] =	ssyncadd.s32 s4;
	_ =	sdelay $0x1  }
0x1f: {  	s24 =	simm.s32 $0x1B8B  }
0x20: {  	_ =	swait.ge [sflag:s24], $0x1  }
0x21: {  	[sflag:s24] =	ssyncset.done $0x0  }
0x22: {  	s26 =	simm.s32 $0x1B8E;
	s25 =	sld [smem:$0x3FFE];
	[sflag:s24] =	ssyncadd.s32 $0xFFFFFFFF  }
0x23: {  	s27 =	simm.s32 $execute0_lowered;
	[smem:$0x3FD2] =	sst s26  }
0x24: {  	s5 =	sshll.u32 s27, $0x1;
	_ =	strace $0x80000049;
	[dreg:$0x1] =	wrdreg $0xFFFFFFFF  }
0x25: {  	s28 =	simm.s32 $_size_execute0_lowered;
	s3 =	sadd.s32 s3, s5;
	[dreg:$0x0] =	wrdreg $0x0  }
0x26: {  	s5 =	sshll.u32 s28, $0x1;
	[dreg:$0x2] =	wrdreg s3  }
0x27: {  	[dreg:$0x3] =	wrdreg s5  }
0x28: {  	[dreg:$0x4] =	wrdreg $0xC0  }
0x29: {  	_ =	task [dreg:s7], $0x5FFFF  }
0x2a: {  	[dreg:$0x1] =	wrdreg $0xFFFFFFFF  }
0x2b: {  	[dreg:$0x0] =	wrdreg $0x60  }
0x2c: {  	[dreg:$0x2] =	wrdreg s25  }
0x2d: {  	[dreg:$0x3] =	wrdreg s17  }
0x2e: {  	[dreg:$0x4] =	wrdreg $0x9  }
0x2f: {  	_ =	task.clear_ibuf [dreg:s7], $0x5FFFF;
	_ =	strace $0x90000049  }
0x30: {  	s29 =	simm.s32 $0x9;
	_ =	strace $0x8000004B  }
0x31: {  	_ =	swait.ge [sflag:s29], $0x1  }
0x32: {  	[sflag:s29] =	ssyncadd.s32 $0xFFFFFFFF  }
0x33: {  	_ =	strace $0x9000004B  }
0x34: {  	_ =	sfence  }
0x35: {  	s30 =	sld [smem:$0x0];
	_ =	sdelay $0x2  }
0x36: {  	s31 =	sshll.u32 s1, $0xD;
	s1 =	sshrl.u32 s1, $0x2  }
0x37: {  	s3 =	sand.u32 $0x4000, s31;
	s1 =	sadd.s32 s1, s30  }
0x38: {  	s0 =	sor.u32 s3, s0;
	s1 =	sshll.u32 s1, $0x11  }
0x39: {  	s0 =	sor.u32 s1, s0  }
0x3a: {  	s0 =	sadd.s32 $0x8F2B, s0  }
0x3b: {  	[sflag:s0] =	ssyncadd.remote.s32 $0x1  }
0x3c: {  	_ =	sfence.sel $0xFFFF  }
0x3d: {  	[dreg:$0x0] =	wrdreg $0xFFFFFFFF;
	(pc) =	sbr.abs _section_cstart, $3  }
0x3e: {  	[dreg:$0x1] =	wrdreg $0xFFFFFFFF  }
0x3f: {  	_ =	task.clear_ibuf [dreg:s7], $0x2FFFF;
	_ =	strace $0x9FFFFFFF  }
0x40: {  	(tm) =	ssettm $0x7FFFFFFF  }
0x41: {  	_ =	shalt  }
tec
execute0_lowered:
.L_overlay_start_1:
0x0: {  	(tag) =	ssettag $0x1  }
0x1: {  	s0 =	srdreg.scid  }
0x2: {  	s1 =	sshll.u32 s0, $0x4  }
0x3: {  	s0 =	stileid.u32;
	s1 =	sand.u32 $0x10, s1  }
0x4: {  	s1 =	sor.u32 s0, s1  }
0x5: {  	s6 =	rddreg [dreg:$0x0];
	s4 =	simm.s32 $0x1;
	s2 =	sshll.u32 s1, $0x7  }
0x6: {  	s7 =	simm.s32 $0x2;
	s12 =	simm.s32 $0x0;
	s1 =	ssub.s32 $0x1000, s2  }
0x7: {  	s8 =	simm.s32 $0x8000;
	s13 =	simm.s32 $0x0;
	s3 =	sand.u32 $0xF80, s1  }
0x8: {  	s9 =	simm.s32 $0x0;
	s5 =	sshrl.u32 s1, $0xC;
	p0 =	sne.s32 s3, $0x0  }
.Ltmp0:
0x9: {  	s1 =	rddreg [dreg:$0x2];
	s4 =	simm.s32 @!p0 $0x0;
	(pc) =	sbr.rel .LBB1_1-.Ltmp0, $4  }
0xa: {  	s11 =	simm.s32 $0x0;
	s3 =	rddreg [dreg:$0x1];
	s5 =	sadd.s32 s4, s5  }
0xb: {  	_ =	strace $0x8000004A;
	s4 =	simm.s32 $0x1;
	s5 =	smul.u32 $0x32, s5  }
0xc: {  	s6 =	sadd.s32 $0x800, s6;
	s10 =	smov.u32 s2;
	[sflag:s4] =	ssyncpa.u1 $0x0  }
0xd: {  	p0 =	por $0x0, $0x0;
	[sflag:s7] =	ssyncpa.u1 $0x0;
	s7 =	sor.u32 $0x1, s5  }
.LBB1_4:
0xe: {  	s16 =	sshll.u32 s13, $0x3;
	s17 =	sand.u32 $0x78, s13  }
0xf: {  	s30 =	sand.u32 $0x7E00, s13;
	s12 =	sshll.u32 s12, $0xF;
	s16 =	sand.u32 $0xC00, s16  }
0x10: {  	[tilespmem:s15+$0x810 ss:$0x81] =	vst.msk $0xffff, v2;
	s31 =	sand.u32 $0x7, s13;
	s16 =	sor.u32 s17, s16;
	s17 =	sadd.s32 s3, s30  }
0x11: {  	[tilespmem:s15+$0x1020 ss:$0x81] =	vst.msk $0xffff, v0;
	s13 =	sshll.u32 s31, $0x12;
	s12 =	sadd.s32 s12, s17;
	s16 =	sshrl.u32 s16, $0x3  }
0x12: {  	[tilespmem:s15+$0x0 ss:$0x81] =	vst.msk $0xffff, v1;
	s13 =	sor.u32 $0x400, s13;
	s12 =	sadd.s32 s16, s12  }
0x13: {  	[hbm4b:s12+s13] =	stream.strided.scatter [tilespmem:s14], [sflag:$0x2], $0x2000, s8, s13, $0x20;
	[tilespmem:$0x8080] =	vst v63  }
.LBB1_5:
0x14: {  	s14 =	sadd.s32 $0x1, s9  }
0x15: {  	s12 =	sadd.s32 $0x1000, s10;
	s16 =	smov.u32 s10;
	p2 =	sgt.s32 s14, $0x31  }
0x16: {  	s16 =	smov.u32 @p2 s12  }
0x17: {  	s14 =	simm.s32 @p2 $0x0;
	p2 =	sgt.s32 s16, $0xFFF  }
0x18: {  	s16 =	smov.u32 @p2 s2;
	p2 =	sne.s32 s11, s7  }
.Ltmp1:
0x19: {  	p1 =	slt.u32 s11, $0x2;
	(pc) =	sbr.rel @!p2 .LBB1_6-.Ltmp1, $4  }
0x1a: {  	s15 =	simm.s32 @!p1 $0x2  }
0x1b: {  	s13 =	smov.u32 s10;
	p0 =	por !p0, !p0;
	_ =	swait.ge @!p1 [sflag:s15], $0x2000  }
0x1c: {  	s12 =	smov.u32 s9;
	[sflag:s15] =	ssyncset.done @!p1 $0x0;
	s9 =	smov.u32 s14  }
0x1d: {  	s11 =	sadd.s32 $0x1, s11;
	[sflag:s15] =	ssyncadd.s32 @!p1 $0xFFFFE000;
	s10 =	smov.u32 s16  }
.LBB1_1:
0x1e: {  	p1 =	sge.u32 s11, s5  }
0x1f: {  	s14 =	sand.u32 @!p1 $0x1FFFFFF, s9  }
0x20: {  	s15 =	smulhi.u32 @!p1 $0x4924925, s14;
	_ =	sdelay $0x1  }
0x21: {  	s15 =	smul.u32 @!p1 $0x38, s15  }
0x22: {  	s16 =	sxor.u32 @!p1 $0xFFFFFFFF, s11;
	s17 =	smul.u32 @!p1 $0x380, s10  }
0x23: {  	s31 =	sadd.s32 $0xFFFFFFFF, s11;
	s16 =	sshll.u32 @!p1 s16, $0xD;
	s14 =	ssub.s32 @!p1 s14, s15  }
0x24: {  	s15 =	sand.u32 @!p1 $0x2000, s16;
	s16 =	sadd.s32 @!p1 s6, s17;
	s14 =	sshll.u32 @!p1 s14, $0x4  }
0x25: {  	s17 =	simm.s32 @!p1 $0x1C00;
	s14 =	sadd.s32 @!p1 s14, s16;
	s16 =	simm.s32 @!p1 $0x40  }
0x26: {  	[tilespmem:s15], [sflag:$0x1] =	stream.strided.gather @!p1 [hbm4b:s14+s16], $0x2000, s17, s16, $0x38;
	[tilespmem:$0x8080] =	vst v63  }
0x27: {  	p1 =	sge.u32 s31, s5  }
.Ltmp2:
0x28: {  	_ = 	snop;
	(pc) =	sbr.rel @p1 .LBB1_5-.Ltmp2, $1  }
0x29: {  	_ =	sdelay $0x3  }
0x2a: {  	s14 =	simm.s32 $0x1  }
0x2b: {  	_ =	swait.ge [sflag:s4], $0x2000;
	s14 =	simm.s32 @!p0 $0x0  }
0x2c: {  	[sflag:s4] =	ssyncset.done $0x0;
	s15 =	sshll.u32 s14, $0xD  }
0x2d: {  	[sflag:s4] =	ssyncadd.s32 $0xFFFFE000;
	s18 =	sor.u32 $0x20, s15  }
0x2e: {  	s14 =	smul.u32 $0x8100, s14;
	v3 =	vld [tilespmem:s18+$0x10]  }
0x2f: {  	s30 =	sand.u32 $0x1, s11;
	v2 =	vld [tilespmem:s18+$0xFFFFFFF0]  }
0x30: {  	s15 =	smul.u32 $0x8100, s30;
	s14 =	sshrl.u32 s14, $0x2;
	v0 =	vld [tilespmem:s18+$0x0]  }
0x31: {  	v1 =	vld [tilespmem:s18+$0xFFFFFFE0];
	s16 =	sor.u32 $0x4000, s14  }
0x32: {  	s31 =	sshrl.u32 s15, $0x2;
	s15 =	sadd.s32 $0x0, s16  }
0x33: {  	s17 =	simm.s32 $0x4;
	s18 =	sadd.s32 $0x40, s18;
	s14 =	sor.u32 $0x4000, s31;
	[tilespmem:s15+$0x1830 ss:$0x81] =	vst.msk $0xffff, v3  }
.LBB1_3:
0x34: {  	v3 =	vld [tilespmem:s18+$0x10];
	p1 =	sne.s32 s17, $0x1FC;
	[tilespmem:s15+$0x810 ss:$0x81] =	vst.msk $0xffff, v2;
	s19 =	smov.u32 s17;
	s17 =	sadd.s32 $0x4, s17  }
.Ltmp3:
0x35: {  	v2 =	vld [tilespmem:s18+$0xFFFFFFF0];
	[tilespmem:s15+$0x1020 ss:$0x81] =	vst.msk $0xffff, v0;
	(pc) =	sbr.rel @p1 .LBB1_3-.Ltmp3, $4  }
0x36: {  	v0 =	vld [tilespmem:s18+$0x0];
	[tilespmem:s15+$0x0 ss:$0x81] =	vst.msk $0xffff, v1  }
0x37: {  	s15 =	sshra.s32 s19, $0x2;
	v1 =	vld [tilespmem:s18+$0xFFFFFFE0]  }
0x38: {  	s15 =	sadd.s32 s15, s16  }
0x39: {  	s18 =	sadd.s32 $0x40, s18;
	[tilespmem:s15+$0x1830 ss:$0x81] =	vst.msk $0xffff, v3  }
.Ltmp4:
0x3a: {  	_ = 	snop;
	(pc) =	sbr.rel .LBB1_4-.Ltmp4, $1  }
0x3b: {  	_ =	sdelay $0x3  }
.LBB1_6:
0x3c: {  	_ =	sfence.sel $0x180000  }
0x3d: {  	s2 =	simm.s32 $0x1;
	[bflag:$0x0] =	sbarrier.arrive $0xFFFF  }
0x3e: {  	s31 =	simm.s32 $0x2;
	[sflag:s2] =	ssyncpa.u1 $0x1  }
0x3f: {  	[sflag:s31] =	ssyncpa.u1 $0x1  }
0x40: {  	p0 =	sne.s32 s0, $0x0;
	_ =	strace $0x9000004A  }
0x41: {  	s0 =	sadd.s32 @!p0 $0x100000, s1;
	[bflag:$0x2] =	sbarrier.arrive $0xFFFF  }
0x42: {  	[sflag:s0] =	ssyncadd.tile.s32 @!p0 $0x1;
	_ =	shalt  }
.Lfunc_end1:
_tile_overlayer_lowered:
.L_overlay_start_2:
0x43: {  	(tag) =	ssettag $0x2  }
0x44: {  	s0 =	rddreg [dreg:$0x0];
	s2 =	stileid.u32  }
0x45: {  	s1 =	rddreg [dreg:$0x1];
	p0 =	sne.s32 s2, $0x0  }
0x46: {  	s3 =	rddreg [dreg:$0x2];
	[bflag:$0x3] =	sbarrier.arrive $0xFFFF;
	s2 =	simm.s32 @!p0 $0x1C01  }
0x47: {  	[timem:s3], [sflag:s2] =	dma.local @!p0 [hbm:s0], s1  }
0x48: {  	s0 =	simm.s32 @!p0 $0x1  }
0x49: {  	_ =	swait.ge @!p0 [sflag:s0], s1  }
0x4a: {  	s1 =	ssub.s32 @!p0 $0x0, s1;
	[sflag:s0] =	ssyncset.done @!p0 $0x0  }
0x4b: {  	[sflag:s0] =	ssyncadd.s32 @!p0 s1  }
0x4c: {  	[bflag:$0x3] =	sbarrier.arrive $0xFFFF  }
0x4d: {  	_ =	shalt  }

</sc_bundles>
